<compile_context>
chip_gen: v7x
topology: tpu7x:2x2x1
jax: 0.10.2.dev20260603
libtpu: 0.0.44.dev20260713+nightly
codegen_flags: <defaults>
</compile_context>

<pallas_src>
import functools

import jax
import jax.numpy as jnp
from jax import lax
from jax.experimental import pallas as pl
from jax.experimental.pallas import tpu as pltpu
import jax.experimental.pallas.tpu_sc as plsc

NC = 2
NS = 16
NW = NC * NS
CHUNK = 128
IB = 16


def _sc_mesh():
    return plsc.VectorSubcoreMesh(
        core_axis_name="c", subcore_axis_name="s", num_cores=NC, num_subcores=NS
    )


def _make_deg_kernel(n_pad, cw, rt):

    @functools.partial(
        pl.kernel,
        mesh=_sc_mesh(),
        out_type=jax.ShapeDtypeStruct((NC, 1, n_pad), jnp.float32),
        scratch_types=[
            pltpu.VMEM((cw, CHUNK), jnp.int32),
            pltpu.VMEM((CHUNK,), jnp.float32),
            pltpu.VMEM((rt,), jnp.float32),
            pltpu.VMEM_SHARED((n_pad,), jnp.float32),
            pltpu.SemaphoreType.DMA,
        ],
    )
    def deg_k(col_hbm, out_hbm, col_v, ones_v, z_v, accd, ssem):
        cid = lax.axis_index("c")
        sid = lax.axis_index("s")
        wid = sid * NC + cid
        pltpu.sync_copy(col_hbm.at[wid], col_v)
        for k in range(CHUNK // 16):
            ones_v[pl.ds(16 * k, 16)] = jnp.full((16,), 1.0, jnp.float32)

        def zb(i, c):
            z_v[pl.ds(i * 16, 16)] = jnp.zeros((16,), jnp.float32)
            return c

        lax.fori_loop(0, rt // 16, zb, 0)
        pltpu.sync_copy(z_v, accd.at[pl.ds(sid * rt, rt)])
        plsc.subcore_barrier()

        def body(j, c):
            pltpu.async_copy(ones_v, accd.at[col_v.at[j]], ssem, add=True)
            return c

        lax.fori_loop(0, cw, body, 0)

        def drain(j, c):
            pltpu.make_async_copy(ones_v, accd.at[col_v.at[j]], ssem).wait()
            return c

        lax.fori_loop(0, cw, drain, 0)
        plsc.subcore_barrier()
        pltpu.sync_copy(
            accd.at[pl.ds(sid * rt, rt)], out_hbm.at[cid, 0, pl.ds(sid * rt, rt)]
        )

    return deg_k


def _make_agg_kernel(n_pad, hid, cw, rt):

    nblk = cw // IB
    assert cw % IB == 0 and IB % 8 == 0

    @functools.partial(
        pl.kernel,
        mesh=_sc_mesh(),
        out_type=jax.ShapeDtypeStruct((NC, n_pad, hid), jnp.float32),
        scratch_types=[
            pltpu.VMEM((2, IB, CHUNK), jnp.int32),
            pltpu.VMEM((2, IB, CHUNK), jnp.int32),
            pltpu.VMEM((2, CHUNK, hid), jnp.float32),
            pltpu.VMEM_SHARED((n_pad, hid), jnp.float32),
            pltpu.SemaphoreType.DMA,
            pltpu.SemaphoreType.DMA,
            pltpu.SemaphoreType.DMA,
        ],
    )
    def agg_k(g_hbm, row_hbm, col_hbm, zrows_hbm, out_hbm, row_v, col_v, buf,
              acc, gsem, ssem, isem):
        cid = lax.axis_index("c")
        sid = lax.axis_index("s")
        wid = sid * NC + cid
        pltpu.sync_copy(zrows_hbm, acc.at[pl.ds(sid * rt, rt)])
        pltpu.sync_copy(row_hbm.at[wid, pl.ds(0, IB)], row_v.at[0])
        pltpu.sync_copy(col_hbm.at[wid, pl.ds(0, IB)], col_v.at[0])
        pltpu.async_copy(g_hbm.at[row_v.at[0, 0]], buf.at[0], gsem)
        plsc.subcore_barrier()

        def half(k2, p):
            b = 2 * k2 + p

            @pl.when(b + 1 < nblk)
            def _():
                pltpu.async_copy(
                    row_hbm.at[wid, pl.ds((b + 1) * IB, IB)], row_v.at[1 - p],
                    isem)
                pltpu.async_copy(
                    col_hbm.at[wid, pl.ds((b + 1) * IB, IB)], col_v.at[1 - p],
                    isem)

            pltpu.async_copy(g_hbm.at[row_v.at[p, 1]], buf.at[1], gsem)

            def body(k, c2):
                j0 = 2 * k
                pltpu.make_async_copy(
                    g_hbm.at[row_v.at[p, j0]], buf.at[0], gsem
                ).wait()
                pltpu.async_copy(buf.at[0], acc.at[col_v.at[p, j0]], ssem,
                                 add=True)
                pltpu.make_async_copy(
                    g_hbm.at[row_v.at[p, j0 + 1]], buf.at[1], gsem
                ).wait()
                pltpu.async_copy(buf.at[1], acc.at[col_v.at[p, j0 + 1]], ssem,
                                 add=True)
                pltpu.make_async_copy(
                    buf.at[0], acc.at[col_v.at[p, j0]], ssem
                ).wait()

                @pl.when(j0 + 2 < IB)
                def _():
                    pltpu.async_copy(g_hbm.at[row_v.at[p, j0 + 2]], buf.at[0],
                                     gsem)

                pltpu.make_async_copy(
                    buf.at[1], acc.at[col_v.at[p, j0 + 1]], ssem
                ).wait()

                @pl.when(j0 + 3 < IB)
                def _():
                    pltpu.async_copy(g_hbm.at[row_v.at[p, j0 + 3]], buf.at[1],
                                     gsem)

                return c2

            lax.fori_loop(0, IB // 2, body, 0)

            @pl.when(b + 1 < nblk)
            def _():
                pltpu.make_async_copy(
                    row_hbm.at[wid, pl.ds((b + 1) * IB, IB)], row_v.at[1 - p],
                    isem).wait()
                pltpu.make_async_copy(
                    col_hbm.at[wid, pl.ds((b + 1) * IB, IB)], col_v.at[1 - p],
                    isem).wait()
                pltpu.async_copy(g_hbm.at[row_v.at[1 - p, 0]], buf.at[0], gsem)

        def outer(k2, c):
            half(k2, 0)
            half(k2, 1)
            return c

        lax.fori_loop(0, nblk // 2, outer, 0)
        if nblk % 2 == 1:
            half(nblk // 2, 0)
        plsc.subcore_barrier()
        pltpu.sync_copy(
            acc.at[pl.ds(sid * rt, rt)],
            out_hbm.at[cid, pl.ds(sid * rt, rt)],
        )

    return agg_k


def _tc_scale(x, W1, degp, n_pad, bn):
    f_in = x.shape[1]
    hid = W1.shape[1]

    def body(x_ref, w_ref, dp_ref, g_ref):
        h = jnp.dot(x_ref[...], w_ref[...], preferred_element_type=jnp.float32)
        deg = dp_ref[0, :] + dp_ref[1, :] + 1.0
        dis = jnp.where(deg > 0, lax.rsqrt(deg), 0.0)
        g_ref[...] = h * dis[:, None]

    return pl.pallas_call(
        body,
        grid=(n_pad // bn,),
        in_specs=[
            pl.BlockSpec((bn, f_in), lambda i: (i, 0)),
            pl.BlockSpec((f_in, hid), lambda i: (0, 0)),
            pl.BlockSpec((2, bn), lambda i: (0, i)),
        ],
        out_specs=pl.BlockSpec((bn, hid), lambda i: (i, 0)),
        out_shape=jax.ShapeDtypeStruct((n_pad, hid), jnp.float32),
    )(x, W1, degp)


def _tc_head(aggp, g, degp, b1, W2, b2, n, n_pad, bn):
    hid = g.shape[1]
    ncls = W2.shape[1]

    def body(a_ref, g_ref, dp_ref, b1_ref, w2_ref, b2_ref, o_ref):
        deg = dp_ref[0, :] + dp_ref[1, :] + 1.0
        dis = jnp.where(deg > 0, lax.rsqrt(deg), 0.0)
        s = a_ref[0] + a_ref[1] + g_ref[...]
        h = s * dis[:, None] + b1_ref[0, :][None, :]
        h = jnp.maximum(h, 0.0)
        logits = (
            jnp.dot(h, w2_ref[...], preferred_element_type=jnp.float32)
            + b2_ref[0, :][None, :]
        )
        m = jnp.max(logits, axis=1, keepdims=True)
        ex = logits - m
        lse = jnp.log(jnp.sum(jnp.exp(ex), axis=1, keepdims=True))
        o_ref[...] = ex - lse

    return pl.pallas_call(
        body,
        grid=(n_pad // bn,),
        in_specs=[
            pl.BlockSpec((2, bn, hid), lambda i: (0, i, 0)),
            pl.BlockSpec((bn, hid), lambda i: (i, 0)),
            pl.BlockSpec((2, bn), lambda i: (0, i)),
            pl.BlockSpec((1, hid), lambda i: (0, 0)),
            pl.BlockSpec((hid, ncls), lambda i: (0, 0)),
            pl.BlockSpec((1, ncls), lambda i: (0, 0)),
        ],
        out_specs=pl.BlockSpec((bn, ncls), lambda i: (i, 0)),
        out_shape=jax.ShapeDtypeStruct((n, ncls), jnp.float32),
    )(aggp, g, degp, b1.reshape(1, hid), W2, b2.reshape(1, ncls))


def kernel(x, edge_index, W1, b1, W2, b2):
    n, _ = x.shape
    hid = W1.shape[1]
    e = edge_index.shape[1]

    rt = 640
    n_pad = -(-(n + 1) // rt) * rt
    step = IB * NW * CHUNK
    e_pad = -(-e // step) * step
    cw = e_pad // (NW * CHUNK)
    bn = 512

    row = edge_index[0]
    col = edge_index[1]
    pad = e_pad - e
    if pad:
        ar = jnp.arange(pad, dtype=jnp.int32)
        row = jnp.concatenate([row, ar % n])
        col = jnp.concatenate([col, n + ar % (n_pad - n)])
    row3d = row.reshape(NW, cw, CHUNK)
    col3d = col.reshape(NW, cw, CHUNK)

    degp = _make_deg_kernel(n_pad, cw, rt)(col3d).reshape(NC, n_pad)
    g = _tc_scale(x, W1, degp, n_pad, bn)
    zrows = jnp.zeros((rt, hid), jnp.float32)
    aggp = _make_agg_kernel(n_pad, hid, cw, rt)(g, row3d, col3d, zrows)
    return _tc_head(aggp, g, degp, b1, W2, b2, n, n_pad, bn)

# --- scband reference (transcript-rebuilt; emitter-appended) ---
"""Pipeline reference for scband-test-model-20864951124663 (READ-ONLY COPY).

The authoritative reference and input builder live on the scoring server;
editing this copy changes nothing except your own understanding.
"""

import jax, jax.numpy as jnp
import numpy as np

N = 10000
E = 320000
F_IN = 128
HID = 128
NCLS = 64


def setup_inputs(seed: int = 0) -> dict:
    key = jax.random.key(seed)
    k1, k2, k3, k4, k5, k6 = jax.random.split(key, 6)
    x = jax.random.normal(k1, (N, F_IN), dtype=jnp.float32)
    edge_index = jax.random.randint(k2, (2, E), 0, N, dtype=jnp.int32)
    W1 = jax.random.normal(k3, (F_IN, HID), dtype=jnp.float32) * 0.05
    b1 = jax.random.normal(k4, (HID,), dtype=jnp.float32) * 0.05
    W2 = jax.random.normal(k5, (HID, NCLS), dtype=jnp.float32) * 0.05
    b2 = jax.random.normal(k6, (NCLS,), dtype=jnp.float32) * 0.05
    return {"x": x, "edge_index": edge_index, "W1": W1, "b1": b1, "W2": W2, "b2": b2}


def gcn_conv(x, edge_index, W, b):
    # Faithful GCNConv: add self-loops, symmetric normalization, linear transform,
    # scatter-add aggregation at destination nodes, then bias.
    n = x.shape[0]
    row = edge_index[0]
    col = edge_index[1]
    loop = jnp.arange(n, dtype=row.dtype)
    row = jnp.concatenate([row, loop])
    col = jnp.concatenate([col, loop])
    ew = jnp.ones(row.shape[0], dtype=jnp.float32)
    deg = jnp.zeros((n,), dtype=jnp.float32).at[col].add(ew)
    deg_inv_sqrt = jnp.where(deg > 0, 1.0 / jnp.sqrt(deg), 0.0)
    norm = deg_inv_sqrt[row] * deg_inv_sqrt[col]
    h = x @ W
    msg = h[row] * norm[:, None]
    out = jnp.zeros((n, W.shape[1]), dtype=jnp.float32).at[col].add(msg)
    return out + b


def reference(x, edge_index, W1, b1, W2, b2):
    h = gcn_conv(x, edge_index, W1, b1)
    h = jax.nn.relu(h)
    # F.dropout in eval mode is identity (deterministic reference)
    logits = h @ W2 + b2
    return jax.nn.log_softmax(logits, axis=1)

if __name__ == "__main__":
    import jax
    _d = setup_inputs()
    print(jax.jit(kernel)(*tuple(_d.values())))

</pallas_src>

<mosaic_0001>
#map = affine_map<(d0, d1) -> (0, 0, 0)>
module attributes {stable_mosaic.version = 14 : i64} {
  func.func @deg_k(%arg0: i32, %arg1: i32, %arg2: memref<32x80x128xi32, #tpu.memory_space<hbm>>, %arg3: memref<2x1x10240xf32, #tpu.memory_space<hbm>>, %arg4: memref<80x128xi32, #tpu.memory_space<vmem>>, %arg5: memref<128xf32, #tpu.memory_space<vmem>>, %arg6: memref<640xf32, #tpu.memory_space<vmem>>, %arg7: memref<10240xf32, #tpu.memory_space<vmem_shared>>, %arg8: memref<!tpu.dma_semaphore, #tpu.memory_space<semaphore_mem>>) attributes {dimension_semantics = [#tpu.dimension_semantics<core_parallel>, #tpu.dimension_semantics<subcore_parallel>], iteration_bounds = array<i64: 2, 16>, scalar_prefetch = 0 : i64, scratch_operands = 5 : i64, tpu.core_type = #tpu.core_type<sc_vector_subcore>, window_params = [{transform_indices = #map}, {transform_indices = #map}]} {
    %mul3A = arith.constant 2 : i32
    %mul3A_0 = arith.muli %arg1, %mul3A : i32
    %add3A = arith.addi %mul3A_0, %arg0 : i32
    "tpu.region"() ({
      %run_scoped3A_71 = tpu.sem_alloc : memref<!tpu.dma_semaphore, #tpu.memory_space<semaphore_mem>>
      %dma_start3A = arith.constant 0 : i32
      %dma_start3A_72 = arith.constant 0 : i32
      %dma_start3A_73 = tpu.memref_slice %arg2[%add3A, %dma_start3A, %dma_start3A_72] : memref<32x80x128xi32, #tpu.memory_space<hbm>> -> memref<1x80x128xi32, #tpu.memory_space<hbm>>
      %dma_start3A_74 = tpu.memref_squeeze %dma_start3A_73 : memref<1x80x128xi32, #tpu.memory_space<hbm>> -> memref<80x128xi32, #tpu.memory_space<hbm>>
      %dma_start3A_75 = arith.constant 0 : i32
      %dma_start3A_76 = arith.constant 0 : i32
      %dma_start3A_77 = tpu.memref_slice %arg2[%add3A, %dma_start3A_75, %dma_start3A_76] : memref<32x80x128xi32, #tpu.memory_space<hbm>> -> memref<1x80x128xi32, #tpu.memory_space<hbm>>
      %dma_start3A_78 = tpu.memref_squeeze %dma_start3A_77 : memref<1x80x128xi32, #tpu.memory_space<hbm>> -> memref<80x128xi32, #tpu.memory_space<hbm>>
      tpu.enqueue_dma source(%dma_start3A_78 : memref<80x128xi32, #tpu.memory_space<hbm>>) target(%arg4 : memref<80x128xi32, #tpu.memory_space<vmem>>) target_semaphore(%run_scoped3A_71 : memref<!tpu.dma_semaphore, #tpu.memory_space<semaphore_mem>>)
      %dma_wait3A = arith.constant 0 : i32
      %dma_wait3A_79 = arith.constant 0 : i32
      %dma_wait3A_80 = tpu.memref_slice %arg2[%add3A, %dma_wait3A, %dma_wait3A_79] : memref<32x80x128xi32, #tpu.memory_space<hbm>> -> memref<1x80x128xi32, #tpu.memory_space<hbm>>
      %dma_wait3A_81 = tpu.memref_squeeze %dma_wait3A_80 : memref<1x80x128xi32, #tpu.memory_space<hbm>> -> memref<80x128xi32, #tpu.memory_space<hbm>>
      %dma_wait3A_82 = arith.constant 0 : i32
      %dma_wait3A_83 = arith.constant 0 : i32
      %dma_wait3A_84 = tpu.memref_slice %arg2[%add3A, %dma_wait3A_82, %dma_wait3A_83] : memref<32x80x128xi32, #tpu.memory_space<hbm>> -> memref<1x80x128xi32, #tpu.memory_space<hbm>>
      %dma_wait3A_85 = tpu.memref_squeeze %dma_wait3A_84 : memref<1x80x128xi32, #tpu.memory_space<hbm>> -> memref<80x128xi32, #tpu.memory_space<hbm>>
      tpu.wait_dma2 semaphore(%run_scoped3A_71 : memref<!tpu.dma_semaphore, #tpu.memory_space<semaphore_mem>>) src(%dma_wait3A_85 : memref<80x128xi32, #tpu.memory_space<hbm>>) dst(%arg4 : memref<80x128xi32, #tpu.memory_space<vmem>>)
      tpu.yield
    }) : () -> ()
    %broadcast_in_dim3A = arith.constant 1.000000e+00 : f32
    %broadcast_in_dim3A_1 = vector.broadcast %broadcast_in_dim3A : f32 to vector<16xf32>
    %swap3A = arith.constant 0 : index
    %swap3A_2 = tpu.vector_load %arg5[%swap3A] {strides = array<i32>} : memref<128xf32, #tpu.memory_space<vmem>>, vector<16xf32>,
    %swap3A_3 = vector.shape_cast %swap3A_2 : vector<16xf32> to vector<16xf32>
    %swap3A_4 = vector.shape_cast %broadcast_in_dim3A_1 : vector<16xf32> to vector<16xf32>
    tpu.vector_store %arg5[%swap3A], %swap3A_4 {strides = array<i32>} : memref<128xf32, #tpu.memory_space<vmem>>, vector<16xf32>,
    %broadcast_in_dim3A_5 = arith.constant 1.000000e+00 : f32
    %broadcast_in_dim3A_6 = vector.broadcast %broadcast_in_dim3A_5 : f32 to vector<16xf32>
    %swap3A_7 = arith.constant 16 : index
    %swap3A_8 = tpu.vector_load %arg5[%swap3A_7] {strides = array<i32>} : memref<128xf32, #tpu.memory_space<vmem>>, vector<16xf32>,
    %swap3A_9 = vector.shape_cast %swap3A_8 : vector<16xf32> to vector<16xf32>
    %swap3A_10 = vector.shape_cast %broadcast_in_dim3A_6 : vector<16xf32> to vector<16xf32>
    tpu.vector_store %arg5[%swap3A_7], %swap3A_10 {strides = array<i32>} : memref<128xf32, #tpu.memory_space<vmem>>, vector<16xf32>,
    %broadcast_in_dim3A_11 = arith.constant 1.000000e+00 : f32
    %broadcast_in_dim3A_12 = vector.broadcast %broadcast_in_dim3A_11 : f32 to vector<16xf32>
    %swap3A_13 = arith.constant 32 : index
    %swap3A_14 = tpu.vector_load %arg5[%swap3A_13] {strides = array<i32>} : memref<128xf32, #tpu.memory_space<vmem>>, vector<16xf32>,
    %swap3A_15 = vector.shape_cast %swap3A_14 : vector<16xf32> to vector<16xf32>
    %swap3A_16 = vector.shape_cast %broadcast_in_dim3A_12 : vector<16xf32> to vector<16xf32>
    tpu.vector_store %arg5[%swap3A_13], %swap3A_16 {strides = array<i32>} : memref<128xf32, #tpu.memory_space<vmem>>, vector<16xf32>,
    %broadcast_in_dim3A_17 = arith.constant 1.000000e+00 : f32
    %broadcast_in_dim3A_18 = vector.broadcast %broadcast_in_dim3A_17 : f32 to vector<16xf32>
    %swap3A_19 = arith.constant 48 : index
    %swap3A_20 = tpu.vector_load %arg5[%swap3A_19] {strides = array<i32>} : memref<128xf32, #tpu.memory_space<vmem>>, vector<16xf32>,
    %swap3A_21 = vector.shape_cast %swap3A_20 : vector<16xf32> to vector<16xf32>
    %swap3A_22 = vector.shape_cast %broadcast_in_dim3A_18 : vector<16xf32> to vector<16xf32>
    tpu.vector_store %arg5[%swap3A_19], %swap3A_22 {strides = array<i32>} : memref<128xf32, #tpu.memory_space<vmem>>, vector<16xf32>,
    %broadcast_in_dim3A_23 = arith.constant 1.000000e+00 : f32
    %broadcast_in_dim3A_24 = vector.broadcast %broadcast_in_dim3A_23 : f32 to vector<16xf32>
    %swap3A_25 = arith.constant 64 : index
    %swap3A_26 = tpu.vector_load %arg5[%swap3A_25] {strides = array<i32>} : memref<128xf32, #tpu.memory_space<vmem>>, vector<16xf32>,
    %swap3A_27 = vector.shape_cast %swap3A_26 : vector<16xf32> to vector<16xf32>
    %swap3A_28 = vector.shape_cast %broadcast_in_dim3A_24 : vector<16xf32> to vector<16xf32>
    tpu.vector_store %arg5[%swap3A_25], %swap3A_28 {strides = array<i32>} : memref<128xf32, #tpu.memory_space<vmem>>, vector<16xf32>,
    %broadcast_in_dim3A_29 = arith.constant 1.000000e+00 : f32
    %broadcast_in_dim3A_30 = vector.broadcast %broadcast_in_dim3A_29 : f32 to vector<16xf32>
    %swap3A_31 = arith.constant 80 : index
    %swap3A_32 = tpu.vector_load %arg5[%swap3A_31] {strides = array<i32>} : memref<128xf32, #tpu.memory_space<vmem>>, vector<16xf32>,
    %swap3A_33 = vector.shape_cast %swap3A_32 : vector<16xf32> to vector<16xf32>
    %swap3A_34 = vector.shape_cast %broadcast_in_dim3A_30 : vector<16xf32> to vector<16xf32>
    tpu.vector_store %arg5[%swap3A_31], %swap3A_34 {strides = array<i32>} : memref<128xf32, #tpu.memory_space<vmem>>, vector<16xf32>,
    %broadcast_in_dim3A_35 = arith.constant 1.000000e+00 : f32
    %broadcast_in_dim3A_36 = vector.broadcast %broadcast_in_dim3A_35 : f32 to vector<16xf32>
    %swap3A_37 = arith.constant 96 : index
    %swap3A_38 = tpu.vector_load %arg5[%swap3A_37] {strides = array<i32>} : memref<128xf32, #tpu.memory_space<vmem>>, vector<16xf32>,
    %swap3A_39 = vector.shape_cast %swap3A_38 : vector<16xf32> to vector<16xf32>
    %swap3A_40 = vector.shape_cast %broadcast_in_dim3A_36 : vector<16xf32> to vector<16xf32>
    tpu.vector_store %arg5[%swap3A_37], %swap3A_40 {strides = array<i32>} : memref<128xf32, #tpu.memory_space<vmem>>, vector<16xf32>,
    %broadcast_in_dim3A_41 = arith.constant 1.000000e+00 : f32
    %broadcast_in_dim3A_42 = vector.broadcast %broadcast_in_dim3A_41 : f32 to vector<16xf32>
    %swap3A_43 = arith.constant 112 : index
    %swap3A_44 = tpu.vector_load %arg5[%swap3A_43] {strides = array<i32>} : memref<128xf32, #tpu.memory_space<vmem>>, vector<16xf32>,
    %swap3A_45 = vector.shape_cast %swap3A_44 : vector<16xf32> to vector<16xf32>
    %swap3A_46 = vector.shape_cast %broadcast_in_dim3A_42 : vector<16xf32> to vector<16xf32>
    tpu.vector_store %arg5[%swap3A_43], %swap3A_46 {strides = array<i32>} : memref<128xf32, #tpu.memory_space<vmem>>, vector<16xf32>,
    %scan3A = arith.constant 0 : i32
    %scan3A_47 = arith.constant 0 : i32
    %scan3A_48 = arith.constant 40 : i32
    %scan3A_49 = arith.addi %scan3A_47, %scan3A_48 : i32
    %scan3A_50 = arith.constant 1 : i32
    scf.for %scan3A_71 = %scan3A_47 to %scan3A_49 step %scan3A_50  : i32 {
      %broadcast_in_dim3A_72 = arith.constant 0.000000e+00 : f32
      %broadcast_in_dim3A_73 = vector.broadcast %broadcast_in_dim3A_72 : f32 to vector<16xf32>
      %mul3A_74 = arith.constant 16 : i32
      %mul3A_75 = arith.muli %scan3A_71, %mul3A_74 : i32
      %swap3A_76 = arith.index_cast %mul3A_75 : i32 to index
      %swap3A_77 = tpu.vector_load %arg6[%swap3A_76] {strides = array<i32>} : memref<640xf32, #tpu.memory_space<vmem>>, vector<16xf32>,
      %swap3A_78 = vector.shape_cast %swap3A_77 : vector<16xf32> to vector<16xf32>
      %swap3A_79 = vector.shape_cast %broadcast_in_dim3A_73 : vector<16xf32> to vector<16xf32>
      tpu.vector_store %arg6[%swap3A_76], %swap3A_79 {strides = array<i32>} : memref<640xf32, #tpu.memory_space<vmem>>, vector<16xf32>,
    }
    %scan3A_51 = arith.constant 40 : i32
    %mul3A_52 = arith.constant 640 : i32
    %mul3A_53 = arith.muli %arg1, %mul3A_52 : i32
    "tpu.region"() ({
      %run_scoped3A_71 = tpu.sem_alloc : memref<!tpu.dma_semaphore, #tpu.memory_space<semaphore_mem>>
      %dma_start3A = tpu.memref_slice %arg7[%mul3A_53] : memref<10240xf32, #tpu.memory_space<vmem_shared>> -> memref<640xf32, #tpu.memory_space<vmem_shared>>
      %dma_start3A_72 = tpu.memref_slice %arg7[%mul3A_53] : memref<10240xf32, #tpu.memory_space<vmem_shared>> -> memref<640xf32, #tpu.memory_space<vmem_shared>>
      tpu.enqueue_dma source(%arg6 : memref<640xf32, #tpu.memory_space<vmem>>) target(%dma_start3A_72 : memref<640xf32, #tpu.memory_space<vmem_shared>>) target_semaphore(%run_scoped3A_71 : memref<!tpu.dma_semaphore, #tpu.memory_space<semaphore_mem>>)
      %dma_wait3A = tpu.memref_slice %arg7[%mul3A_53] : memref<10240xf32, #tpu.memory_space<vmem_shared>> -> memref<640xf32, #tpu.memory_space<vmem_shared>>
      %dma_wait3A_73 = tpu.memref_slice %arg7[%mul3A_53] : memref<10240xf32, #tpu.memory_space<vmem_shared>> -> memref<640xf32, #tpu.memory_space<vmem_shared>>
      tpu.wait_dma2 semaphore(%run_scoped3A_71 : memref<!tpu.dma_semaphore, #tpu.memory_space<semaphore_mem>>) src(%arg6 : memref<640xf32, #tpu.memory_space<vmem>>) dst(%dma_wait3A_73 : memref<640xf32, #tpu.memory_space<vmem_shared>>)
      tpu.yield
    }) : () -> ()
    %barrier3A = arith.constant 0 : index
    tpu.barrier barrier_id(%barrier3A)
    %scan3A_54 = arith.constant 0 : i32
    %scan3A_55 = arith.constant 0 : i32
    %scan3A_56 = arith.constant 80 : i32
    %scan3A_57 = arith.addi %scan3A_55, %scan3A_56 : i32
    %scan3A_58 = arith.constant 1 : i32
    scf.for %scan3A_71 = %scan3A_55 to %scan3A_57 step %scan3A_58  : i32 {
      %dma_start3A = arith.constant 0 : i32
      %dma_start3A_72 = tpu.memref_slice %arg4[%scan3A_71, %dma_start3A] : memref<80x128xi32, #tpu.memory_space<vmem>> -> memref<1x128xi32, #tpu.memory_space<vmem>>
      %dma_start3A_73 = tpu.memref_squeeze %dma_start3A_72 : memref<1x128xi32, #tpu.memory_space<vmem>> -> memref<128xi32, #tpu.memory_space<vmem>>
      %dma_start3A_74 = arith.constant 0 : i32
      %dma_start3A_75 = tpu.memref_slice %arg7[%dma_start3A_74] : memref<10240xf32, #tpu.memory_space<vmem_shared>> -> memref<10240xf32, #tpu.memory_space<vmem_shared>>
      tpu.enqueue_indirect_dma source(%arg5 : memref<128xf32, #tpu.memory_space<vmem>>) target(%dma_start3A_75 : memref<10240xf32, #tpu.memory_space<vmem_shared>>) offsets(%dma_start3A_73 : memref<128xi32, #tpu.memory_space<vmem>>) semaphore(%arg8 : memref<!tpu.dma_semaphore, #tpu.memory_space<semaphore_mem>>) {add = true}
    }
    %scan3A_59 = arith.constant 80 : i32
    %scan3A_60 = arith.constant 0 : i32
    %scan3A_61 = arith.constant 0 : i32
    %scan3A_62 = arith.constant 80 : i32
    %scan3A_63 = arith.addi %scan3A_61, %scan3A_62 : i32
    %scan3A_64 = arith.constant 1 : i32
    scf.for %scan3A_71 = %scan3A_61 to %scan3A_63 step %scan3A_64  : i32 {
      %dma_wait3A = arith.constant 0 : i32
      %dma_wait3A_72 = tpu.memref_slice %arg4[%scan3A_71, %dma_wait3A] : memref<80x128xi32, #tpu.memory_space<vmem>> -> memref<1x128xi32, #tpu.memory_space<vmem>>
      %dma_wait3A_73 = tpu.memref_squeeze %dma_wait3A_72 : memref<1x128xi32, #tpu.memory_space<vmem>> -> memref<128xi32, #tpu.memory_space<vmem>>
      %dma_wait3A_74 = arith.constant 0 : i32
      %dma_wait3A_75 = tpu.memref_slice %arg7[%dma_wait3A_74] : memref<10240xf32, #tpu.memory_space<vmem_shared>> -> memref<10240xf32, #tpu.memory_space<vmem_shared>>
      tpu.wait_indirect_dma semaphore(%arg8 : memref<!tpu.dma_semaphore, #tpu.memory_space<semaphore_mem>>) src(%arg5 : memref<128xf32, #tpu.memory_space<vmem>>) dst(%dma_wait3A_75 : memref<10240xf32, #tpu.memory_space<vmem_shared>>)
    }
    %scan3A_65 = arith.constant 80 : i32
    %barrier3A_66 = arith.constant 0 : index
    tpu.barrier barrier_id(%barrier3A_66)
    %mul3A_67 = arith.constant 640 : i32
    %mul3A_68 = arith.muli %arg1, %mul3A_67 : i32
    %mul3A_69 = arith.constant 640 : i32
    %mul3A_70 = arith.muli %arg1, %mul3A_69 : i32
    %run_scoped3A = arith.constant 0 : i32
    "tpu.region"() ({
      %run_scoped3A_71 = tpu.sem_alloc : memref<!tpu.dma_semaphore, #tpu.memory_space<semaphore_mem>>
      %dma_start3A = tpu.memref_slice %arg3[%arg0, %run_scoped3A, %mul3A_70] : memref<2x1x10240xf32, #tpu.memory_space<hbm>> -> memref<1x1x640xf32, #tpu.memory_space<hbm>>
      %dma_start3A_72 = tpu.memref_squeeze %dma_start3A : memref<1x1x640xf32, #tpu.memory_space<hbm>> -> memref<640xf32, #tpu.memory_space<hbm>>
      %dma_start3A_73 = tpu.memref_slice %arg7[%mul3A_68] : memref<10240xf32, #tpu.memory_space<vmem_shared>> -> memref<640xf32, #tpu.memory_space<vmem_shared>>
      tpu.enqueue_dma source(%dma_start3A_73 : memref<640xf32, #tpu.memory_space<vmem_shared>>) target(%dma_start3A_72 : memref<640xf32, #tpu.memory_space<hbm>>) target_semaphore(%run_scoped3A_71 : memref<!tpu.dma_semaphore, #tpu.memory_space<semaphore_mem>>)
      %dma_wait3A = tpu.memref_slice %arg3[%arg0, %run_scoped3A, %mul3A_70] : memref<2x1x10240xf32, #tpu.memory_space<hbm>> -> memref<1x1x640xf32, #tpu.memory_space<hbm>>
      %dma_wait3A_74 = tpu.memref_squeeze %dma_wait3A : memref<1x1x640xf32, #tpu.memory_space<hbm>> -> memref<640xf32, #tpu.memory_space<hbm>>
      %dma_wait3A_75 = tpu.memref_slice %arg7[%mul3A_68] : memref<10240xf32, #tpu.memory_space<vmem_shared>> -> memref<640xf32, #tpu.memory_space<vmem_shared>>
      tpu.wait_dma2 semaphore(%run_scoped3A_71 : memref<!tpu.dma_semaphore, #tpu.memory_space<semaphore_mem>>) src(%dma_wait3A_75 : memref<640xf32, #tpu.memory_space<vmem_shared>>) dst(%dma_wait3A_74 : memref<640xf32, #tpu.memory_space<hbm>>)
      tpu.yield
    }) : () -> ()
    return
  }
}

#map = affine_map<(d0, d1) -> (0, 0)>
#map1 = affine_map<(d0, d1) -> (0, 0, 0)>
module attributes {stable_mosaic.version = 14 : i64} {
  func.func @agg_k(%arg0: i32, %arg1: i32, %arg2: memref<10240x128xf32, #tpu.memory_space<hbm>>, %arg3: memref<32x80x128xi32, #tpu.memory_space<hbm>>, %arg4: memref<32x80x128xi32, #tpu.memory_space<hbm>>, %arg5: memref<640x128xf32, #tpu.memory_space<hbm>>, %arg6: memref<2x10240x128xf32, #tpu.memory_space<hbm>>, %arg7: memref<2x16x128xi32, #tpu.memory_space<vmem>>, %arg8: memref<2x16x128xi32, #tpu.memory_space<vmem>>, %arg9: memref<2x128x128xf32, #tpu.memory_space<vmem>>, %arg10: memref<10240x128xf32, #tpu.memory_space<vmem_shared>>, %arg11: memref<!tpu.dma_semaphore, #tpu.memory_space<semaphore_mem>>, %arg12: memref<!tpu.dma_semaphore, #tpu.memory_space<semaphore_mem>>, %arg13: memref<!tpu.dma_semaphore, #tpu.memory_space<semaphore_mem>>) attributes {dimension_semantics = [#tpu.dimension_semantics<core_parallel>, #tpu.dimension_semantics<subcore_parallel>], iteration_bounds = array<i64: 2, 16>, scalar_prefetch = 0 : i64, scratch_operands = 7 : i64, tpu.core_type = #tpu.core_type<sc_vector_subcore>, window_params = [{transform_indices = #map}, {transform_indices = #map1}, {transform_indices = #map1}, {transform_indices = #map}, {transform_indices = #map1}]} {
    %mul3A = arith.constant 2 : i32
    %mul3A_0 = arith.muli %arg1, %mul3A : i32
    %add3A = arith.addi %mul3A_0, %arg0 : i32
    %mul3A_1 = arith.constant 640 : i32
    %mul3A_2 = arith.muli %arg1, %mul3A_1 : i32
    "tpu.region"() ({
      %run_scoped3A_45 = tpu.sem_alloc : memref<!tpu.dma_semaphore, #tpu.memory_space<semaphore_mem>>
      %dma_start3A_46 = arith.constant 0 : i32
      %dma_start3A_47 = tpu.memref_slice %arg10[%mul3A_2, %dma_start3A_46] : memref<10240x128xf32, #tpu.memory_space<vmem_shared>> -> memref<640x128xf32, #tpu.memory_space<vmem_shared>>
      tpu.enqueue_dma source(%arg5 : memref<640x128xf32, #tpu.memory_space<hbm>>) target(%dma_start3A_47 : memref<640x128xf32, #tpu.memory_space<vmem_shared>>) target_semaphore(%run_scoped3A_45 : memref<!tpu.dma_semaphore, #tpu.memory_space<semaphore_mem>>)
      %dma_wait3A = arith.constant 0 : i32
      %dma_wait3A_48 = tpu.memref_slice %arg10[%mul3A_2, %dma_wait3A] : memref<10240x128xf32, #tpu.memory_space<vmem_shared>> -> memref<640x128xf32, #tpu.memory_space<vmem_shared>>
      tpu.wait_dma2 semaphore(%run_scoped3A_45 : memref<!tpu.dma_semaphore, #tpu.memory_space<semaphore_mem>>) src(%arg5 : memref<640x128xf32, #tpu.memory_space<hbm>>) dst(%dma_wait3A_48 : memref<640x128xf32, #tpu.memory_space<vmem_shared>>)
      tpu.yield
    }) : () -> ()
    %run_scoped3A = arith.constant 0 : i32
    "tpu.region"() ({
      %run_scoped3A_45 = tpu.sem_alloc : memref<!tpu.dma_semaphore, #tpu.memory_space<semaphore_mem>>
      %dma_start3A_46 = arith.constant 0 : i32
      %dma_start3A_47 = arith.constant 0 : i32
      %dma_start3A_48 = tpu.memref_slice %arg7[%run_scoped3A, %dma_start3A_46, %dma_start3A_47] : memref<2x16x128xi32, #tpu.memory_space<vmem>> -> memref<1x16x128xi32, #tpu.memory_space<vmem>>
      %dma_start3A_49 = tpu.memref_squeeze %dma_start3A_48 : memref<1x16x128xi32, #tpu.memory_space<vmem>> -> memref<16x128xi32, #tpu.memory_space<vmem>>
      %dma_start3A_50 = arith.constant 0 : i32
      %dma_start3A_51 = arith.constant 0 : i32
      %dma_start3A_52 = tpu.memref_slice %arg3[%add3A, %dma_start3A_50, %dma_start3A_51] : memref<32x80x128xi32, #tpu.memory_space<hbm>> -> memref<1x16x128xi32, #tpu.memory_space<hbm>>
      %dma_start3A_53 = tpu.memref_squeeze %dma_start3A_52 : memref<1x16x128xi32, #tpu.memory_space<hbm>> -> memref<16x128xi32, #tpu.memory_space<hbm>>
      %dma_start3A_54 = arith.constant 0 : i32
      %dma_start3A_55 = arith.constant 0 : i32
      %dma_start3A_56 = tpu.memref_slice %arg7[%run_scoped3A, %dma_start3A_54, %dma_start3A_55] : memref<2x16x128xi32, #tpu.memory_space<vmem>> -> memref<1x16x128xi32, #tpu.memory_space<vmem>>
      %dma_start3A_57 = tpu.memref_squeeze %dma_start3A_56 : memref<1x16x128xi32, #tpu.memory_space<vmem>> -> memref<16x128xi32, #tpu.memory_space<vmem>>
      %dma_start3A_58 = arith.constant 0 : i32
      %dma_start3A_59 = arith.constant 0 : i32
      %dma_start3A_60 = tpu.memref_slice %arg3[%add3A, %dma_start3A_58, %dma_start3A_59] : memref<32x80x128xi32, #tpu.memory_space<hbm>> -> memref<1x16x128xi32, #tpu.memory_space<hbm>>
      %dma_start3A_61 = tpu.memref_squeeze %dma_start3A_60 : memref<1x16x128xi32, #tpu.memory_space<hbm>> -> memref<16x128xi32, #tpu.memory_space<hbm>>
      tpu.enqueue_dma source(%dma_start3A_61 : memref<16x128xi32, #tpu.memory_space<hbm>>) target(%dma_start3A_57 : memref<16x128xi32, #tpu.memory_space<vmem>>) target_semaphore(%run_scoped3A_45 : memref<!tpu.dma_semaphore, #tpu.memory_space<semaphore_mem>>)
      %dma_wait3A = arith.constant 0 : i32
      %dma_wait3A_62 = arith.constant 0 : i32
      %dma_wait3A_63 = tpu.memref_slice %arg7[%run_scoped3A, %dma_wait3A, %dma_wait3A_62] : memref<2x16x128xi32, #tpu.memory_space<vmem>> -> memref<1x16x128xi32, #tpu.memory_space<vmem>>
      %dma_wait3A_64 = tpu.memref_squeeze %dma_wait3A_63 : memref<1x16x128xi32, #tpu.memory_space<vmem>> -> memref<16x128xi32, #tpu.memory_space<vmem>>
      %dma_wait3A_65 = arith.constant 0 : i32
      %dma_wait3A_66 = arith.constant 0 : i32
      %dma_wait3A_67 = tpu.memref_slice %arg3[%add3A, %dma_wait3A_65, %dma_wait3A_66] : memref<32x80x128xi32, #tpu.memory_space<hbm>> -> memref<1x16x128xi32, #tpu.memory_space<hbm>>
      %dma_wait3A_68 = tpu.memref_squeeze %dma_wait3A_67 : memref<1x16x128xi32, #tpu.memory_space<hbm>> -> memref<16x128xi32, #tpu.memory_space<hbm>>
      %dma_wait3A_69 = arith.constant 0 : i32
      %dma_wait3A_70 = arith.constant 0 : i32
      %dma_wait3A_71 = tpu.memref_slice %arg7[%run_scoped3A, %dma_wait3A_69, %dma_wait3A_70] : memref<2x16x128xi32, #tpu.memory_space<vmem>> -> memref<1x16x128xi32, #tpu.memory_space<vmem>>
      %dma_wait3A_72 = tpu.memref_squeeze %dma_wait3A_71 : memref<1x16x128xi32, #tpu.memory_space<vmem>> -> memref<16x128xi32, #tpu.memory_space<vmem>>
      %dma_wait3A_73 = arith.constant 0 : i32
      %dma_wait3A_74 = arith.constant 0 : i32
      %dma_wait3A_75 = tpu.memref_slice %arg3[%add3A, %dma_wait3A_73, %dma_wait3A_74] : memref<32x80x128xi32, #tpu.memory_space<hbm>> -> memref<1x16x128xi32, #tpu.memory_space<hbm>>
      %dma_wait3A_76 = tpu.memref_squeeze %dma_wait3A_75 : memref<1x16x128xi32, #tpu.memory_space<hbm>> -> memref<16x128xi32, #tpu.memory_space<hbm>>
      tpu.wait_dma2 semaphore(%run_scoped3A_45 : memref<!tpu.dma_semaphore, #tpu.memory_space<semaphore_mem>>) src(%dma_wait3A_76 : memref<16x128xi32, #tpu.memory_space<hbm>>) dst(%dma_wait3A_72 : memref<16x128xi32, #tpu.memory_space<vmem>>)
      tpu.yield
    }) : () -> ()
    %run_scoped3A_3 = arith.constant 0 : i32
    "tpu.region"() ({
      %run_scoped3A_45 = tpu.sem_alloc : memref<!tpu.dma_semaphore, #tpu.memory_space<semaphore_mem>>
      %dma_start3A_46 = arith.constant 0 : i32
      %dma_start3A_47 = arith.constant 0 : i32
      %dma_start3A_48 = tpu.memref_slice %arg8[%run_scoped3A_3, %dma_start3A_46, %dma_start3A_47] : memref<2x16x128xi32, #tpu.memory_space<vmem>> -> memref<1x16x128xi32, #tpu.memory_space<vmem>>
      %dma_start3A_49 = tpu.memref_squeeze %dma_start3A_48 : memref<1x16x128xi32, #tpu.memory_space<vmem>> -> memref<16x128xi32, #tpu.memory_space<vmem>>
      %dma_start3A_50 = arith.constant 0 : i32
      %dma_start3A_51 = arith.constant 0 : i32
      %dma_start3A_52 = tpu.memref_slice %arg4[%add3A, %dma_start3A_50, %dma_start3A_51] : memref<32x80x128xi32, #tpu.memory_space<hbm>> -> memref<1x16x128xi32, #tpu.memory_space<hbm>>
      %dma_start3A_53 = tpu.memref_squeeze %dma_start3A_52 : memref<1x16x128xi32, #tpu.memory_space<hbm>> -> memref<16x128xi32, #tpu.memory_space<hbm>>
      %dma_start3A_54 = arith.constant 0 : i32
      %dma_start3A_55 = arith.constant 0 : i32
      %dma_start3A_56 = tpu.memref_slice %arg8[%run_scoped3A_3, %dma_start3A_54, %dma_start3A_55] : memref<2x16x128xi32, #tpu.memory_space<vmem>> -> memref<1x16x128xi32, #tpu.memory_space<vmem>>
      %dma_start3A_57 = tpu.memref_squeeze %dma_start3A_56 : memref<1x16x128xi32, #tpu.memory_space<vmem>> -> memref<16x128xi32, #tpu.memory_space<vmem>>
      %dma_start3A_58 = arith.constant 0 : i32
      %dma_start3A_59 = arith.constant 0 : i32
      %dma_start3A_60 = tpu.memref_slice %arg4[%add3A, %dma_start3A_58, %dma_start3A_59] : memref<32x80x128xi32, #tpu.memory_space<hbm>> -> memref<1x16x128xi32, #tpu.memory_space<hbm>>
      %dma_start3A_61 = tpu.memref_squeeze %dma_start3A_60 : memref<1x16x128xi32, #tpu.memory_space<hbm>> -> memref<16x128xi32, #tpu.memory_space<hbm>>
      tpu.enqueue_dma source(%dma_start3A_61 : memref<16x128xi32, #tpu.memory_space<hbm>>) target(%dma_start3A_57 : memref<16x128xi32, #tpu.memory_space<vmem>>) target_semaphore(%run_scoped3A_45 : memref<!tpu.dma_semaphore, #tpu.memory_space<semaphore_mem>>)
      %dma_wait3A = arith.constant 0 : i32
      %dma_wait3A_62 = arith.constant 0 : i32
      %dma_wait3A_63 = tpu.memref_slice %arg8[%run_scoped3A_3, %dma_wait3A, %dma_wait3A_62] : memref<2x16x128xi32, #tpu.memory_space<vmem>> -> memref<1x16x128xi32, #tpu.memory_space<vmem>>
      %dma_wait3A_64 = tpu.memref_squeeze %dma_wait3A_63 : memref<1x16x128xi32, #tpu.memory_space<vmem>> -> memref<16x128xi32, #tpu.memory_space<vmem>>
      %dma_wait3A_65 = arith.constant 0 : i32
      %dma_wait3A_66 = arith.constant 0 : i32
      %dma_wait3A_67 = tpu.memref_slice %arg4[%add3A, %dma_wait3A_65, %dma_wait3A_66] : memref<32x80x128xi32, #tpu.memory_space<hbm>> -> memref<1x16x128xi32, #tpu.memory_space<hbm>>
      %dma_wait3A_68 = tpu.memref_squeeze %dma_wait3A_67 : memref<1x16x128xi32, #tpu.memory_space<hbm>> -> memref<16x128xi32, #tpu.memory_space<hbm>>
      %dma_wait3A_69 = arith.constant 0 : i32
      %dma_wait3A_70 = arith.constant 0 : i32
      %dma_wait3A_71 = tpu.memref_slice %arg8[%run_scoped3A_3, %dma_wait3A_69, %dma_wait3A_70] : memref<2x16x128xi32, #tpu.memory_space<vmem>> -> memref<1x16x128xi32, #tpu.memory_space<vmem>>
      %dma_wait3A_72 = tpu.memref_squeeze %dma_wait3A_71 : memref<1x16x128xi32, #tpu.memory_space<vmem>> -> memref<16x128xi32, #tpu.memory_space<vmem>>
      %dma_wait3A_73 = arith.constant 0 : i32
      %dma_wait3A_74 = arith.constant 0 : i32
      %dma_wait3A_75 = tpu.memref_slice %arg4[%add3A, %dma_wait3A_73, %dma_wait3A_74] : memref<32x80x128xi32, #tpu.memory_space<hbm>> -> memref<1x16x128xi32, #tpu.memory_space<hbm>>
      %dma_wait3A_76 = tpu.memref_squeeze %dma_wait3A_75 : memref<1x16x128xi32, #tpu.memory_space<hbm>> -> memref<16x128xi32, #tpu.memory_space<hbm>>
      tpu.wait_dma2 semaphore(%run_scoped3A_45 : memref<!tpu.dma_semaphore, #tpu.memory_space<semaphore_mem>>) src(%dma_wait3A_76 : memref<16x128xi32, #tpu.memory_space<hbm>>) dst(%dma_wait3A_72 : memref<16x128xi32, #tpu.memory_space<vmem>>)
      tpu.yield
    }) : () -> ()
    %dma_start3A = arith.constant 0 : i32
    %dma_start3A_4 = arith.constant 0 : i32
    %dma_start3A_5 = arith.constant 0 : i32
    %dma_start3A_6 = arith.constant 0 : i32
    %dma_start3A_7 = arith.constant 0 : i32
    %dma_start3A_8 = tpu.memref_slice %arg9[%dma_start3A_5, %dma_start3A_6, %dma_start3A_7] : memref<2x128x128xf32, #tpu.memory_space<vmem>> -> memref<1x128x128xf32, #tpu.memory_space<vmem>>
    %dma_start3A_9 = tpu.memref_squeeze %dma_start3A_8 : memref<1x128x128xf32, #tpu.memory_space<vmem>> -> memref<128x128xf32, #tpu.memory_space<vmem>>
    %dma_start3A_10 = arith.constant 0 : i32
    %dma_start3A_11 = tpu.memref_slice %arg7[%dma_start3A, %dma_start3A_4, %dma_start3A_10] : memref<2x16x128xi32, #tpu.memory_space<vmem>> -> memref<1x1x128xi32, #tpu.memory_space<vmem>>
    %dma_start3A_12 = tpu.memref_squeeze %dma_start3A_11 : memref<1x1x128xi32, #tpu.memory_space<vmem>> -> memref<128xi32, #tpu.memory_space<vmem>>
    %dma_start3A_13 = arith.constant 0 : i32
    %dma_start3A_14 = arith.constant 0 : i32
    %dma_start3A_15 = tpu.memref_slice %arg2[%dma_start3A_13, %dma_start3A_14] : memref<10240x128xf32, #tpu.memory_space<hbm>> -> memref<10240x128xf32, #tpu.memory_space<hbm>>
    tpu.enqueue_indirect_dma source(%dma_start3A_15 : memref<10240x128xf32, #tpu.memory_space<hbm>>) target(%dma_start3A_9 : memref<128x128xf32, #tpu.memory_space<vmem>>) offsets(%dma_start3A_12 : memref<128xi32, #tpu.memory_space<vmem>>) semaphore(%arg11 : memref<!tpu.dma_semaphore, #tpu.memory_space<semaphore_mem>>)
    %barrier3A = arith.constant 0 : index
    tpu.barrier barrier_id(%barrier3A)
    %scan3A = arith.constant 0 : i32
    %scan3A_16 = arith.constant 0 : i32
    %scan3A_17 = arith.constant 2 : i32
    %scan3A_18 = arith.addi %scan3A_16, %scan3A_17 : i32
    %scan3A_19 = arith.constant 1 : i32
    scf.for %scan3A_45 = %scan3A_16 to %scan3A_18 step %scan3A_19  : i32 {
      %mul3A_46 = arith.constant 2 : i32
      %mul3A_47 = arith.muli %mul3A_46, %scan3A_45 : i32
      %add3A_48 = arith.constant 0 : i32
      %add3A_49 = arith.addi %mul3A_47, %add3A_48 : i32
      %add3A_50 = arith.constant 1 : i32
      %add3A_51 = arith.addi %add3A_49, %add3A_50 : i32
      %lt3A = arith.constant 5 : i32
      %lt3A_52 = arith.cmpi slt, %add3A_51, %lt3A : i32
      %convert_element_type3A = arith.extui %lt3A_52 : i1 to i32
      %cond3A = arith.constant 0 : i32
      %cond3A_53 = arith.cmpi ne, %convert_element_type3A, %cond3A : i32
      scf.if %cond3A_53 {
        %add3A_117 = arith.constant 1 : i32
        %add3A_118 = arith.addi %add3A_49, %add3A_117 : i32
        %mul3A_119 = arith.constant 16 : i32
        %mul3A_120 = arith.muli %add3A_118, %mul3A_119 : i32
        %dma_start3A_121 = arith.constant 1 : i32
        %dma_start3A_122 = arith.constant 0 : i32
        %dma_start3A_123 = arith.constant 0 : i32
        %dma_start3A_124 = tpu.memref_slice %arg7[%dma_start3A_121, %dma_start3A_122, %dma_start3A_123] : memref<2x16x128xi32, #tpu.memory_space<vmem>> -> memref<1x16x128xi32, #tpu.memory_space<vmem>>
        %dma_start3A_125 = tpu.memref_squeeze %dma_start3A_124 : memref<1x16x128xi32, #tpu.memory_space<vmem>> -> memref<16x128xi32, #tpu.memory_space<vmem>>
        %dma_start3A_126 = arith.constant 0 : i32
        %dma_start3A_127 = tpu.memref_slice %arg3[%add3A, %mul3A_120, %dma_start3A_126] : memref<32x80x128xi32, #tpu.memory_space<hbm>> -> memref<1x16x128xi32, #tpu.memory_space<hbm>>
        %dma_start3A_128 = tpu.memref_squeeze %dma_start3A_127 : memref<1x16x128xi32, #tpu.memory_space<hbm>> -> memref<16x128xi32, #tpu.memory_space<hbm>>
        %dma_start3A_129 = arith.constant 0 : i32
        %dma_start3A_130 = arith.constant 0 : i32
        %dma_start3A_131 = tpu.memref_slice %arg7[%dma_start3A_121, %dma_start3A_129, %dma_start3A_130] : memref<2x16x128xi32, #tpu.memory_space<vmem>> -> memref<1x16x128xi32, #tpu.memory_space<vmem>>
        %dma_start3A_132 = tpu.memref_squeeze %dma_start3A_131 : memref<1x16x128xi32, #tpu.memory_space<vmem>> -> memref<16x128xi32, #tpu.memory_space<vmem>>
        %dma_start3A_133 = arith.constant 0 : i32
        %dma_start3A_134 = tpu.memref_slice %arg3[%add3A, %mul3A_120, %dma_start3A_133] : memref<32x80x128xi32, #tpu.memory_space<hbm>> -> memref<1x16x128xi32, #tpu.memory_space<hbm>>
        %dma_start3A_135 = tpu.memref_squeeze %dma_start3A_134 : memref<1x16x128xi32, #tpu.memory_space<hbm>> -> memref<16x128xi32, #tpu.memory_space<hbm>>
        tpu.enqueue_dma source(%dma_start3A_135 : memref<16x128xi32, #tpu.memory_space<hbm>>) target(%dma_start3A_132 : memref<16x128xi32, #tpu.memory_space<vmem>>) target_semaphore(%arg13 : memref<!tpu.dma_semaphore, #tpu.memory_space<semaphore_mem>>)
        %add3A_136 = arith.constant 1 : i32
        %add3A_137 = arith.addi %add3A_49, %add3A_136 : i32
        %mul3A_138 = arith.constant 16 : i32
        %mul3A_139 = arith.muli %add3A_137, %mul3A_138 : i32
        %dma_start3A_140 = arith.constant 1 : i32
        %dma_start3A_141 = arith.constant 0 : i32
        %dma_start3A_142 = arith.constant 0 : i32
        %dma_start3A_143 = tpu.memref_slice %arg8[%dma_start3A_140, %dma_start3A_141, %dma_start3A_142] : memref<2x16x128xi32, #tpu.memory_space<vmem>> -> memref<1x16x128xi32, #tpu.memory_space<vmem>>
        %dma_start3A_144 = tpu.memref_squeeze %dma_start3A_143 : memref<1x16x128xi32, #tpu.memory_space<vmem>> -> memref<16x128xi32, #tpu.memory_space<vmem>>
        %dma_start3A_145 = arith.constant 0 : i32
        %dma_start3A_146 = tpu.memref_slice %arg4[%add3A, %mul3A_139, %dma_start3A_145] : memref<32x80x128xi32, #tpu.memory_space<hbm>> -> memref<1x16x128xi32, #tpu.memory_space<hbm>>
        %dma_start3A_147 = tpu.memref_squeeze %dma_start3A_146 : memref<1x16x128xi32, #tpu.memory_space<hbm>> -> memref<16x128xi32, #tpu.memory_space<hbm>>
        %dma_start3A_148 = arith.constant 0 : i32
        %dma_start3A_149 = arith.constant 0 : i32
        %dma_start3A_150 = tpu.memref_slice %arg8[%dma_start3A_140, %dma_start3A_148, %dma_start3A_149] : memref<2x16x128xi32, #tpu.memory_space<vmem>> -> memref<1x16x128xi32, #tpu.memory_space<vmem>>
        %dma_start3A_151 = tpu.memref_squeeze %dma_start3A_150 : memref<1x16x128xi32, #tpu.memory_space<vmem>> -> memref<16x128xi32, #tpu.memory_space<vmem>>
        %dma_start3A_152 = arith.constant 0 : i32
        %dma_start3A_153 = tpu.memref_slice %arg4[%add3A, %mul3A_139, %dma_start3A_152] : memref<32x80x128xi32, #tpu.memory_space<hbm>> -> memref<1x16x128xi32, #tpu.memory_space<hbm>>
        %dma_start3A_154 = tpu.memref_squeeze %dma_start3A_153 : memref<1x16x128xi32, #tpu.memory_space<hbm>> -> memref<16x128xi32, #tpu.memory_space<hbm>>
        tpu.enqueue_dma source(%dma_start3A_154 : memref<16x128xi32, #tpu.memory_space<hbm>>) target(%dma_start3A_151 : memref<16x128xi32, #tpu.memory_space<vmem>>) target_semaphore(%arg13 : memref<!tpu.dma_semaphore, #tpu.memory_space<semaphore_mem>>)
      } else {
      }
      %dma_start3A_54 = arith.constant 0 : i32
      %dma_start3A_55 = arith.constant 1 : i32
      %dma_start3A_56 = arith.constant 1 : i32
      %dma_start3A_57 = arith.constant 0 : i32
      %dma_start3A_58 = arith.constant 0 : i32
      %dma_start3A_59 = tpu.memref_slice %arg9[%dma_start3A_56, %dma_start3A_57, %dma_start3A_58] : memref<2x128x128xf32, #tpu.memory_space<vmem>> -> memref<1x128x128xf32, #tpu.memory_space<vmem>>
      %dma_start3A_60 = tpu.memref_squeeze %dma_start3A_59 : memref<1x128x128xf32, #tpu.memory_space<vmem>> -> memref<128x128xf32, #tpu.memory_space<vmem>>
      %dma_start3A_61 = arith.constant 0 : i32
      %dma_start3A_62 = tpu.memref_slice %arg7[%dma_start3A_54, %dma_start3A_55, %dma_start3A_61] : memref<2x16x128xi32, #tpu.memory_space<vmem>> -> memref<1x1x128xi32, #tpu.memory_space<vmem>>
      %dma_start3A_63 = tpu.memref_squeeze %dma_start3A_62 : memref<1x1x128xi32, #tpu.memory_space<vmem>> -> memref<128xi32, #tpu.memory_space<vmem>>
      %dma_start3A_64 = arith.constant 0 : i32
      %dma_start3A_65 = arith.constant 0 : i32
      %dma_start3A_66 = tpu.memref_slice %arg2[%dma_start3A_64, %dma_start3A_65] : memref<10240x128xf32, #tpu.memory_space<hbm>> -> memref<10240x128xf32, #tpu.memory_space<hbm>>
      tpu.enqueue_indirect_dma source(%dma_start3A_66 : memref<10240x128xf32, #tpu.memory_space<hbm>>) target(%dma_start3A_60 : memref<128x128xf32, #tpu.memory_space<vmem>>) offsets(%dma_start3A_63 : memref<128xi32, #tpu.memory_space<vmem>>) semaphore(%arg11 : memref<!tpu.dma_semaphore, #tpu.memory_space<semaphore_mem>>)
      %scan3A_67 = arith.constant 0 : i32
      %scan3A_68 = arith.constant 0 : i32
      %scan3A_69 = arith.constant 8 : i32
      %scan3A_70 = arith.addi %scan3A_68, %scan3A_69 : i32
      %scan3A_71 = arith.constant 1 : i32
      scf.for %scan3A_117 = %scan3A_68 to %scan3A_70 step %scan3A_71  : i32 {
        %mul3A_118 = arith.constant 2 : i32
        %mul3A_119 = arith.muli %mul3A_118, %scan3A_117 : i32
        %dma_wait3A = arith.constant 0 : i32
        %dma_wait3A_120 = arith.constant 0 : i32
        %dma_wait3A_121 = arith.constant 0 : i32
        %dma_wait3A_122 = arith.constant 0 : i32
        %dma_wait3A_123 = tpu.memref_slice %arg9[%dma_wait3A_120, %dma_wait3A_121, %dma_wait3A_122] : memref<2x128x128xf32, #tpu.memory_space<vmem>> -> memref<1x128x128xf32, #tpu.memory_space<vmem>>
        %dma_wait3A_124 = tpu.memref_squeeze %dma_wait3A_123 : memref<1x128x128xf32, #tpu.memory_space<vmem>> -> memref<128x128xf32, #tpu.memory_space<vmem>>
        %dma_wait3A_125 = arith.constant 0 : i32
        %dma_wait3A_126 = tpu.memref_slice %arg7[%dma_wait3A, %mul3A_119, %dma_wait3A_125] : memref<2x16x128xi32, #tpu.memory_space<vmem>> -> memref<1x1x128xi32, #tpu.memory_space<vmem>>
        %dma_wait3A_127 = tpu.memref_squeeze %dma_wait3A_126 : memref<1x1x128xi32, #tpu.memory_space<vmem>> -> memref<128xi32, #tpu.memory_space<vmem>>
        %dma_wait3A_128 = arith.constant 0 : i32
        %dma_wait3A_129 = arith.constant 0 : i32
        %dma_wait3A_130 = tpu.memref_slice %arg2[%dma_wait3A_128, %dma_wait3A_129] : memref<10240x128xf32, #tpu.memory_space<hbm>> -> memref<10240x128xf32, #tpu.memory_space<hbm>>
        tpu.wait_indirect_dma semaphore(%arg11 : memref<!tpu.dma_semaphore, #tpu.memory_space<semaphore_mem>>) src(%dma_wait3A_130 : memref<10240x128xf32, #tpu.memory_space<hbm>>) dst(%dma_wait3A_124 : memref<128x128xf32, #tpu.memory_space<vmem>>)
        %dma_start3A_131 = arith.constant 0 : i32
        %dma_start3A_132 = arith.constant 0 : i32
        %dma_start3A_133 = arith.constant 0 : i32
        %dma_start3A_134 = arith.constant 0 : i32
        %dma_start3A_135 = tpu.memref_slice %arg9[%dma_start3A_131, %dma_start3A_133, %dma_start3A_134] : memref<2x128x128xf32, #tpu.memory_space<vmem>> -> memref<1x128x128xf32, #tpu.memory_space<vmem>>
        %dma_start3A_136 = tpu.memref_squeeze %dma_start3A_135 : memref<1x128x128xf32, #tpu.memory_space<vmem>> -> memref<128x128xf32, #tpu.memory_space<vmem>>
        %dma_start3A_137 = arith.constant 0 : i32
        %dma_start3A_138 = tpu.memref_slice %arg8[%dma_start3A_132, %mul3A_119, %dma_start3A_137] : memref<2x16x128xi32, #tpu.memory_space<vmem>> -> memref<1x1x128xi32, #tpu.memory_space<vmem>>
        %dma_start3A_139 = tpu.memref_squeeze %dma_start3A_138 : memref<1x1x128xi32, #tpu.memory_space<vmem>> -> memref<128xi32, #tpu.memory_space<vmem>>
        %dma_start3A_140 = arith.constant 0 : i32
        %dma_start3A_141 = arith.constant 0 : i32
        %dma_start3A_142 = tpu.memref_slice %arg10[%dma_start3A_140, %dma_start3A_141] : memref<10240x128xf32, #tpu.memory_space<vmem_shared>> -> memref<10240x128xf32, #tpu.memory_space<vmem_shared>>
        tpu.enqueue_indirect_dma source(%dma_start3A_136 : memref<128x128xf32, #tpu.memory_space<vmem>>) target(%dma_start3A_142 : memref<10240x128xf32, #tpu.memory_space<vmem_shared>>) offsets(%dma_start3A_139 : memref<128xi32, #tpu.memory_space<vmem>>) semaphore(%arg12 : memref<!tpu.dma_semaphore, #tpu.memory_space<semaphore_mem>>) {add = true}
        %add3A_143 = arith.constant 1 : i32
        %add3A_144 = arith.addi %mul3A_119, %add3A_143 : i32
        %dma_wait3A_145 = arith.constant 0 : i32
        %dma_wait3A_146 = arith.constant 1 : i32
        %dma_wait3A_147 = arith.constant 0 : i32
        %dma_wait3A_148 = arith.constant 0 : i32
        %dma_wait3A_149 = tpu.memref_slice %arg9[%dma_wait3A_146, %dma_wait3A_147, %dma_wait3A_148] : memref<2x128x128xf32, #tpu.memory_space<vmem>> -> memref<1x128x128xf32, #tpu.memory_space<vmem>>
        %dma_wait3A_150 = tpu.memref_squeeze %dma_wait3A_149 : memref<1x128x128xf32, #tpu.memory_space<vmem>> -> memref<128x128xf32, #tpu.memory_space<vmem>>
        %dma_wait3A_151 = arith.constant 0 : i32
        %dma_wait3A_152 = tpu.memref_slice %arg7[%dma_wait3A_145, %add3A_144, %dma_wait3A_151] : memref<2x16x128xi32, #tpu.memory_space<vmem>> -> memref<1x1x128xi32, #tpu.memory_space<vmem>>
        %dma_wait3A_153 = tpu.memref_squeeze %dma_wait3A_152 : memref<1x1x128xi32, #tpu.memory_space<vmem>> -> memref<128xi32, #tpu.memory_space<vmem>>
        %dma_wait3A_154 = arith.constant 0 : i32
        %dma_wait3A_155 = arith.constant 0 : i32
        %dma_wait3A_156 = tpu.memref_slice %arg2[%dma_wait3A_154, %dma_wait3A_155] : memref<10240x128xf32, #tpu.memory_space<hbm>> -> memref<10240x128xf32, #tpu.memory_space<hbm>>
        tpu.wait_indirect_dma semaphore(%arg11 : memref<!tpu.dma_semaphore, #tpu.memory_space<semaphore_mem>>) src(%dma_wait3A_156 : memref<10240x128xf32, #tpu.memory_space<hbm>>) dst(%dma_wait3A_150 : memref<128x128xf32, #tpu.memory_space<vmem>>)
        %add3A_157 = arith.constant 1 : i32
        %add3A_158 = arith.addi %mul3A_119, %add3A_157 : i32
        %dma_start3A_159 = arith.constant 1 : i32
        %dma_start3A_160 = arith.constant 0 : i32
        %dma_start3A_161 = arith.constant 0 : i32
        %dma_start3A_162 = arith.constant 0 : i32
        %dma_start3A_163 = tpu.memref_slice %arg9[%dma_start3A_159, %dma_start3A_161, %dma_start3A_162] : memref<2x128x128xf32, #tpu.memory_space<vmem>> -> memref<1x128x128xf32, #tpu.memory_space<vmem>>
        %dma_start3A_164 = tpu.memref_squeeze %dma_start3A_163 : memref<1x128x128xf32, #tpu.memory_space<vmem>> -> memref<128x128xf32, #tpu.memory_space<vmem>>
        %dma_start3A_165 = arith.constant 0 : i32
        %dma_start3A_166 = tpu.memref_slice %arg8[%dma_start3A_160, %add3A_158, %dma_start3A_165] : memref<2x16x128xi32, #tpu.memory_space<vmem>> -> memref<1x1x128xi32, #tpu.memory_space<vmem>>
        %dma_start3A_167 = tpu.memref_squeeze %dma_start3A_166 : memref<1x1x128xi32, #tpu.memory_space<vmem>> -> memref<128xi32, #tpu.memory_space<vmem>>
        %dma_start3A_168 = arith.constant 0 : i32
        %dma_start3A_169 = arith.constant 0 : i32
        %dma_start3A_170 = tpu.memref_slice %arg10[%dma_start3A_168, %dma_start3A_169] : memref<10240x128xf32, #tpu.memory_space<vmem_shared>> -> memref<10240x128xf32, #tpu.memory_space<vmem_shared>>
        tpu.enqueue_indirect_dma source(%dma_start3A_164 : memref<128x128xf32, #tpu.memory_space<vmem>>) target(%dma_start3A_170 : memref<10240x128xf32, #tpu.memory_space<vmem_shared>>) offsets(%dma_start3A_167 : memref<128xi32, #tpu.memory_space<vmem>>) semaphore(%arg12 : memref<!tpu.dma_semaphore, #tpu.memory_space<semaphore_mem>>) {add = true}
        %dma_wait3A_171 = arith.constant 0 : i32
        %dma_wait3A_172 = arith.constant 0 : i32
        %dma_wait3A_173 = arith.constant 0 : i32
        %dma_wait3A_174 = arith.constant 0 : i32
        %dma_wait3A_175 = tpu.memref_slice %arg9[%dma_wait3A_171, %dma_wait3A_173, %dma_wait3A_174] : memref<2x128x128xf32, #tpu.memory_space<vmem>> -> memref<1x128x128xf32, #tpu.memory_space<vmem>>
        %dma_wait3A_176 = tpu.memref_squeeze %dma_wait3A_175 : memref<1x128x128xf32, #tpu.memory_space<vmem>> -> memref<128x128xf32, #tpu.memory_space<vmem>>
        %dma_wait3A_177 = arith.constant 0 : i32
        %dma_wait3A_178 = tpu.memref_slice %arg8[%dma_wait3A_172, %mul3A_119, %dma_wait3A_177] : memref<2x16x128xi32, #tpu.memory_space<vmem>> -> memref<1x1x128xi32, #tpu.memory_space<vmem>>
        %dma_wait3A_179 = tpu.memref_squeeze %dma_wait3A_178 : memref<1x1x128xi32, #tpu.memory_space<vmem>> -> memref<128xi32, #tpu.memory_space<vmem>>
        %dma_wait3A_180 = arith.constant 0 : i32
        %dma_wait3A_181 = arith.constant 0 : i32
        %dma_wait3A_182 = tpu.memref_slice %arg10[%dma_wait3A_180, %dma_wait3A_181] : memref<10240x128xf32, #tpu.memory_space<vmem_shared>> -> memref<10240x128xf32, #tpu.memory_space<vmem_shared>>
        tpu.wait_indirect_dma semaphore(%arg12 : memref<!tpu.dma_semaphore, #tpu.memory_space<semaphore_mem>>) src(%dma_wait3A_176 : memref<128x128xf32, #tpu.memory_space<vmem>>) dst(%dma_wait3A_182 : memref<10240x128xf32, #tpu.memory_space<vmem_shared>>)
        %add3A_183 = arith.constant 2 : i32
        %add3A_184 = arith.addi %mul3A_119, %add3A_183 : i32
        %lt3A_185 = arith.constant 16 : i32
        %lt3A_186 = arith.cmpi slt, %add3A_184, %lt3A_185 : i32
        %convert_element_type3A_187 = arith.extui %lt3A_186 : i1 to i32
        %cond3A_188 = arith.constant 0 : i32
        %cond3A_189 = arith.cmpi ne, %convert_element_type3A_187, %cond3A_188 : i32
        scf.if %cond3A_189 {
          %add3A_211 = arith.constant 2 : i32
          %add3A_212 = arith.addi %mul3A_119, %add3A_211 : i32
          %dma_start3A_213 = arith.constant 0 : i32
          %dma_start3A_214 = arith.constant 0 : i32
          %dma_start3A_215 = arith.constant 0 : i32
          %dma_start3A_216 = arith.constant 0 : i32
          %dma_start3A_217 = tpu.memref_slice %arg9[%dma_start3A_214, %dma_start3A_215, %dma_start3A_216] : memref<2x128x128xf32, #tpu.memory_space<vmem>> -> memref<1x128x128xf32, #tpu.memory_space<vmem>>
          %dma_start3A_218 = tpu.memref_squeeze %dma_start3A_217 : memref<1x128x128xf32, #tpu.memory_space<vmem>> -> memref<128x128xf32, #tpu.memory_space<vmem>>
          %dma_start3A_219 = arith.constant 0 : i32
          %dma_start3A_220 = tpu.memref_slice %arg7[%dma_start3A_213, %add3A_212, %dma_start3A_219] : memref<2x16x128xi32, #tpu.memory_space<vmem>> -> memref<1x1x128xi32, #tpu.memory_space<vmem>>
          %dma_start3A_221 = tpu.memref_squeeze %dma_start3A_220 : memref<1x1x128xi32, #tpu.memory_space<vmem>> -> memref<128xi32, #tpu.memory_space<vmem>>
          %dma_start3A_222 = arith.constant 0 : i32
          %dma_start3A_223 = arith.constant 0 : i32
          %dma_start3A_224 = tpu.memref_slice %arg2[%dma_start3A_222, %dma_start3A_223] : memref<10240x128xf32, #tpu.memory_space<hbm>> -> memref<10240x128xf32, #tpu.memory_space<hbm>>
          tpu.enqueue_indirect_dma source(%dma_start3A_224 : memref<10240x128xf32, #tpu.memory_space<hbm>>) target(%dma_start3A_218 : memref<128x128xf32, #tpu.memory_space<vmem>>) offsets(%dma_start3A_221 : memref<128xi32, #tpu.memory_space<vmem>>) semaphore(%arg11 : memref<!tpu.dma_semaphore, #tpu.memory_space<semaphore_mem>>)
        } else {
        }
        %add3A_190 = arith.constant 1 : i32
        %add3A_191 = arith.addi %mul3A_119, %add3A_190 : i32
        %dma_wait3A_192 = arith.constant 1 : i32
        %dma_wait3A_193 = arith.constant 0 : i32
        %dma_wait3A_194 = arith.constant 0 : i32
        %dma_wait3A_195 = arith.constant 0 : i32
        %dma_wait3A_196 = tpu.memref_slice %arg9[%dma_wait3A_192, %dma_wait3A_194, %dma_wait3A_195] : memref<2x128x128xf32, #tpu.memory_space<vmem>> -> memref<1x128x128xf32, #tpu.memory_space<vmem>>
        %dma_wait3A_197 = tpu.memref_squeeze %dma_wait3A_196 : memref<1x128x128xf32, #tpu.memory_space<vmem>> -> memref<128x128xf32, #tpu.memory_space<vmem>>
        %dma_wait3A_198 = arith.constant 0 : i32
        %dma_wait3A_199 = tpu.memref_slice %arg8[%dma_wait3A_193, %add3A_191, %dma_wait3A_198] : memref<2x16x128xi32, #tpu.memory_space<vmem>> -> memref<1x1x128xi32, #tpu.memory_space<vmem>>
        %dma_wait3A_200 = tpu.memref_squeeze %dma_wait3A_199 : memref<1x1x128xi32, #tpu.memory_space<vmem>> -> memref<128xi32, #tpu.memory_space<vmem>>
        %dma_wait3A_201 = arith.constant 0 : i32
        %dma_wait3A_202 = arith.constant 0 : i32
        %dma_wait3A_203 = tpu.memref_slice %arg10[%dma_wait3A_201, %dma_wait3A_202] : memref<10240x128xf32, #tpu.memory_space<vmem_shared>> -> memref<10240x128xf32, #tpu.memory_space<vmem_shared>>
        tpu.wait_indirect_dma semaphore(%arg12 : memref<!tpu.dma_semaphore, #tpu.memory_space<semaphore_mem>>) src(%dma_wait3A_197 : memref<128x128xf32, #tpu.memory_space<vmem>>) dst(%dma_wait3A_203 : memref<10240x128xf32, #tpu.memory_space<vmem_shared>>)
        %add3A_204 = arith.constant 3 : i32
        %add3A_205 = arith.addi %mul3A_119, %add3A_204 : i32
        %lt3A_206 = arith.constant 16 : i32
        %lt3A_207 = arith.cmpi slt, %add3A_205, %lt3A_206 : i32
        %convert_element_type3A_208 = arith.extui %lt3A_207 : i1 to i32
        %cond3A_209 = arith.constant 0 : i32
        %cond3A_210 = arith.cmpi ne, %convert_element_type3A_208, %cond3A_209 : i32
        scf.if %cond3A_210 {
          %add3A_211 = arith.constant 3 : i32
          %add3A_212 = arith.addi %mul3A_119, %add3A_211 : i32
          %dma_start3A_213 = arith.constant 0 : i32
          %dma_start3A_214 = arith.constant 1 : i32
          %dma_start3A_215 = arith.constant 0 : i32
          %dma_start3A_216 = arith.constant 0 : i32
          %dma_start3A_217 = tpu.memref_slice %arg9[%dma_start3A_214, %dma_start3A_215, %dma_start3A_216] : memref<2x128x128xf32, #tpu.memory_space<vmem>> -> memref<1x128x128xf32, #tpu.memory_space<vmem>>
          %dma_start3A_218 = tpu.memref_squeeze %dma_start3A_217 : memref<1x128x128xf32, #tpu.memory_space<vmem>> -> memref<128x128xf32, #tpu.memory_space<vmem>>
          %dma_start3A_219 = arith.constant 0 : i32
          %dma_start3A_220 = tpu.memref_slice %arg7[%dma_start3A_213, %add3A_212, %dma_start3A_219] : memref<2x16x128xi32, #tpu.memory_space<vmem>> -> memref<1x1x128xi32, #tpu.memory_space<vmem>>
          %dma_start3A_221 = tpu.memref_squeeze %dma_start3A_220 : memref<1x1x128xi32, #tpu.memory_space<vmem>> -> memref<128xi32, #tpu.memory_space<vmem>>
          %dma_start3A_222 = arith.constant 0 : i32
          %dma_start3A_223 = arith.constant 0 : i32
          %dma_start3A_224 = tpu.memref_slice %arg2[%dma_start3A_222, %dma_start3A_223] : memref<10240x128xf32, #tpu.memory_space<hbm>> -> memref<10240x128xf32, #tpu.memory_space<hbm>>
          tpu.enqueue_indirect_dma source(%dma_start3A_224 : memref<10240x128xf32, #tpu.memory_space<hbm>>) target(%dma_start3A_218 : memref<128x128xf32, #tpu.memory_space<vmem>>) offsets(%dma_start3A_221 : memref<128xi32, #tpu.memory_space<vmem>>) semaphore(%arg11 : memref<!tpu.dma_semaphore, #tpu.memory_space<semaphore_mem>>)
        } else {
        }
      }
      %scan3A_72 = arith.constant 8 : i32
      %add3A_73 = arith.constant 1 : i32
      %add3A_74 = arith.addi %add3A_49, %add3A_73 : i32
      %lt3A_75 = arith.constant 5 : i32
      %lt3A_76 = arith.cmpi slt, %add3A_74, %lt3A_75 : i32
      %convert_element_type3A_77 = arith.extui %lt3A_76 : i1 to i32
      %cond3A_78 = arith.constant 0 : i32
      %cond3A_79 = arith.cmpi ne, %convert_element_type3A_77, %cond3A_78 : i32
      scf.if %cond3A_79 {
        %add3A_117 = arith.constant 1 : i32
        %add3A_118 = arith.addi %add3A_49, %add3A_117 : i32
        %mul3A_119 = arith.constant 16 : i32
        %mul3A_120 = arith.muli %add3A_118, %mul3A_119 : i32
        %dma_wait3A = arith.constant 1 : i32
        %dma_wait3A_121 = arith.constant 0 : i32
        %dma_wait3A_122 = arith.constant 0 : i32
        %dma_wait3A_123 = tpu.memref_slice %arg7[%dma_wait3A, %dma_wait3A_121, %dma_wait3A_122] : memref<2x16x128xi32, #tpu.memory_space<vmem>> -> memref<1x16x128xi32, #tpu.memory_space<vmem>>
        %dma_wait3A_124 = tpu.memref_squeeze %dma_wait3A_123 : memref<1x16x128xi32, #tpu.memory_space<vmem>> -> memref<16x128xi32, #tpu.memory_space<vmem>>
        %dma_wait3A_125 = arith.constant 0 : i32
        %dma_wait3A_126 = tpu.memref_slice %arg3[%add3A, %mul3A_120, %dma_wait3A_125] : memref<32x80x128xi32, #tpu.memory_space<hbm>> -> memref<1x16x128xi32, #tpu.memory_space<hbm>>
        %dma_wait3A_127 = tpu.memref_squeeze %dma_wait3A_126 : memref<1x16x128xi32, #tpu.memory_space<hbm>> -> memref<16x128xi32, #tpu.memory_space<hbm>>
        %dma_wait3A_128 = arith.constant 0 : i32
        %dma_wait3A_129 = arith.constant 0 : i32
        %dma_wait3A_130 = tpu.memref_slice %arg7[%dma_wait3A, %dma_wait3A_128, %dma_wait3A_129] : memref<2x16x128xi32, #tpu.memory_space<vmem>> -> memref<1x16x128xi32, #tpu.memory_space<vmem>>
        %dma_wait3A_131 = tpu.memref_squeeze %dma_wait3A_130 : memref<1x16x128xi32, #tpu.memory_space<vmem>> -> memref<16x128xi32, #tpu.memory_space<vmem>>
        %dma_wait3A_132 = arith.constant 0 : i32
        %dma_wait3A_133 = tpu.memref_slice %arg3[%add3A, %mul3A_120, %dma_wait3A_132] : memref<32x80x128xi32, #tpu.memory_space<hbm>> -> memref<1x16x128xi32, #tpu.memory_space<hbm>>
        %dma_wait3A_134 = tpu.memref_squeeze %dma_wait3A_133 : memref<1x16x128xi32, #tpu.memory_space<hbm>> -> memref<16x128xi32, #tpu.memory_space<hbm>>
        tpu.wait_dma2 semaphore(%arg13 : memref<!tpu.dma_semaphore, #tpu.memory_space<semaphore_mem>>) src(%dma_wait3A_134 : memref<16x128xi32, #tpu.memory_space<hbm>>) dst(%dma_wait3A_131 : memref<16x128xi32, #tpu.memory_space<vmem>>)
        %add3A_135 = arith.constant 1 : i32
        %add3A_136 = arith.addi %add3A_49, %add3A_135 : i32
        %mul3A_137 = arith.constant 16 : i32
        %mul3A_138 = arith.muli %add3A_136, %mul3A_137 : i32
        %dma_wait3A_139 = arith.constant 1 : i32
        %dma_wait3A_140 = arith.constant 0 : i32
        %dma_wait3A_141 = arith.constant 0 : i32
        %dma_wait3A_142 = tpu.memref_slice %arg8[%dma_wait3A_139, %dma_wait3A_140, %dma_wait3A_141] : memref<2x16x128xi32, #tpu.memory_space<vmem>> -> memref<1x16x128xi32, #tpu.memory_space<vmem>>
        %dma_wait3A_143 = tpu.memref_squeeze %dma_wait3A_142 : memref<1x16x128xi32, #tpu.memory_space<vmem>> -> memref<16x128xi32, #tpu.memory_space<vmem>>
        %dma_wait3A_144 = arith.constant 0 : i32
        %dma_wait3A_145 = tpu.memref_slice %arg4[%add3A, %mul3A_138, %dma_wait3A_144] : memref<32x80x128xi32, #tpu.memory_space<hbm>> -> memref<1x16x128xi32, #tpu.memory_space<hbm>>
        %dma_wait3A_146 = tpu.memref_squeeze %dma_wait3A_145 : memref<1x16x128xi32, #tpu.memory_space<hbm>> -> memref<16x128xi32, #tpu.memory_space<hbm>>
        %dma_wait3A_147 = arith.constant 0 : i32
        %dma_wait3A_148 = arith.constant 0 : i32
        %dma_wait3A_149 = tpu.memref_slice %arg8[%dma_wait3A_139, %dma_wait3A_147, %dma_wait3A_148] : memref<2x16x128xi32, #tpu.memory_space<vmem>> -> memref<1x16x128xi32, #tpu.memory_space<vmem>>
        %dma_wait3A_150 = tpu.memref_squeeze %dma_wait3A_149 : memref<1x16x128xi32, #tpu.memory_space<vmem>> -> memref<16x128xi32, #tpu.memory_space<vmem>>
        %dma_wait3A_151 = arith.constant 0 : i32
        %dma_wait3A_152 = tpu.memref_slice %arg4[%add3A, %mul3A_138, %dma_wait3A_151] : memref<32x80x128xi32, #tpu.memory_space<hbm>> -> memref<1x16x128xi32, #tpu.memory_space<hbm>>
        %dma_wait3A_153 = tpu.memref_squeeze %dma_wait3A_152 : memref<1x16x128xi32, #tpu.memory_space<hbm>> -> memref<16x128xi32, #tpu.memory_space<hbm>>
        tpu.wait_dma2 semaphore(%arg13 : memref<!tpu.dma_semaphore, #tpu.memory_space<semaphore_mem>>) src(%dma_wait3A_153 : memref<16x128xi32, #tpu.memory_space<hbm>>) dst(%dma_wait3A_150 : memref<16x128xi32, #tpu.memory_space<vmem>>)
        %dma_start3A_154 = arith.constant 1 : i32
        %dma_start3A_155 = arith.constant 0 : i32
        %dma_start3A_156 = arith.constant 0 : i32
        %dma_start3A_157 = arith.constant 0 : i32
        %dma_start3A_158 = arith.constant 0 : i32
        %dma_start3A_159 = tpu.memref_slice %arg9[%dma_start3A_156, %dma_start3A_157, %dma_start3A_158] : memref<2x128x128xf32, #tpu.memory_space<vmem>> -> memref<1x128x128xf32, #tpu.memory_space<vmem>>
        %dma_start3A_160 = tpu.memref_squeeze %dma_start3A_159 : memref<1x128x128xf32, #tpu.memory_space<vmem>> -> memref<128x128xf32, #tpu.memory_space<vmem>>
        %dma_start3A_161 = arith.constant 0 : i32
        %dma_start3A_162 = tpu.memref_slice %arg7[%dma_start3A_154, %dma_start3A_155, %dma_start3A_161] : memref<2x16x128xi32, #tpu.memory_space<vmem>> -> memref<1x1x128xi32, #tpu.memory_space<vmem>>
        %dma_start3A_163 = tpu.memref_squeeze %dma_start3A_162 : memref<1x1x128xi32, #tpu.memory_space<vmem>> -> memref<128xi32, #tpu.memory_space<vmem>>
        %dma_start3A_164 = arith.constant 0 : i32
        %dma_start3A_165 = arith.constant 0 : i32
        %dma_start3A_166 = tpu.memref_slice %arg2[%dma_start3A_164, %dma_start3A_165] : memref<10240x128xf32, #tpu.memory_space<hbm>> -> memref<10240x128xf32, #tpu.memory_space<hbm>>
        tpu.enqueue_indirect_dma source(%dma_start3A_166 : memref<10240x128xf32, #tpu.memory_space<hbm>>) target(%dma_start3A_160 : memref<128x128xf32, #tpu.memory_space<vmem>>) offsets(%dma_start3A_163 : memref<128xi32, #tpu.memory_space<vmem>>) semaphore(%arg11 : memref<!tpu.dma_semaphore, #tpu.memory_space<semaphore_mem>>)
      } else {
      }
      %mul3A_80 = arith.constant 2 : i32
      %mul3A_81 = arith.muli %mul3A_80, %scan3A_45 : i32
      %add3A_82 = arith.constant 1 : i32
      %add3A_83 = arith.addi %mul3A_81, %add3A_82 : i32
      %add3A_84 = arith.constant 1 : i32
      %add3A_85 = arith.addi %add3A_83, %add3A_84 : i32
      %lt3A_86 = arith.constant 5 : i32
      %lt3A_87 = arith.cmpi slt, %add3A_85, %lt3A_86 : i32
      %convert_element_type3A_88 = arith.extui %lt3A_87 : i1 to i32
      %cond3A_89 = arith.constant 0 : i32
      %cond3A_90 = arith.cmpi ne, %convert_element_type3A_88, %cond3A_89 : i32
      scf.if %cond3A_90 {
        %add3A_117 = arith.constant 1 : i32
        %add3A_118 = arith.addi %add3A_83, %add3A_117 : i32
        %mul3A_119 = arith.constant 16 : i32
        %mul3A_120 = arith.muli %add3A_118, %mul3A_119 : i32
        %dma_start3A_121 = arith.constant 0 : i32
        %dma_start3A_122 = arith.constant 0 : i32
        %dma_start3A_123 = arith.constant 0 : i32
        %dma_start3A_124 = tpu.memref_slice %arg7[%dma_start3A_121, %dma_start3A_122, %dma_start3A_123] : memref<2x16x128xi32, #tpu.memory_space<vmem>> -> memref<1x16x128xi32, #tpu.memory_space<vmem>>
        %dma_start3A_125 = tpu.memref_squeeze %dma_start3A_124 : memref<1x16x128xi32, #tpu.memory_space<vmem>> -> memref<16x128xi32, #tpu.memory_space<vmem>>
        %dma_start3A_126 = arith.constant 0 : i32
        %dma_start3A_127 = tpu.memref_slice %arg3[%add3A, %mul3A_120, %dma_start3A_126] : memref<32x80x128xi32, #tpu.memory_space<hbm>> -> memref<1x16x128xi32, #tpu.memory_space<hbm>>
        %dma_start3A_128 = tpu.memref_squeeze %dma_start3A_127 : memref<1x16x128xi32, #tpu.memory_space<hbm>> -> memref<16x128xi32, #tpu.memory_space<hbm>>
        %dma_start3A_129 = arith.constant 0 : i32
        %dma_start3A_130 = arith.constant 0 : i32
        %dma_start3A_131 = tpu.memref_slice %arg7[%dma_start3A_121, %dma_start3A_129, %dma_start3A_130] : memref<2x16x128xi32, #tpu.memory_space<vmem>> -> memref<1x16x128xi32, #tpu.memory_space<vmem>>
        %dma_start3A_132 = tpu.memref_squeeze %dma_start3A_131 : memref<1x16x128xi32, #tpu.memory_space<vmem>> -> memref<16x128xi32, #tpu.memory_space<vmem>>
        %dma_start3A_133 = arith.constant 0 : i32
        %dma_start3A_134 = tpu.memref_slice %arg3[%add3A, %mul3A_120, %dma_start3A_133] : memref<32x80x128xi32, #tpu.memory_space<hbm>> -> memref<1x16x128xi32, #tpu.memory_space<hbm>>
        %dma_start3A_135 = tpu.memref_squeeze %dma_start3A_134 : memref<1x16x128xi32, #tpu.memory_space<hbm>> -> memref<16x128xi32, #tpu.memory_space<hbm>>
        tpu.enqueue_dma source(%dma_start3A_135 : memref<16x128xi32, #tpu.memory_space<hbm>>) target(%dma_start3A_132 : memref<16x128xi32, #tpu.memory_space<vmem>>) target_semaphore(%arg13 : memref<!tpu.dma_semaphore, #tpu.memory_space<semaphore_mem>>)
        %add3A_136 = arith.constant 1 : i32
        %add3A_137 = arith.addi %add3A_83, %add3A_136 : i32
        %mul3A_138 = arith.constant 16 : i32
        %mul3A_139 = arith.muli %add3A_137, %mul3A_138 : i32
        %dma_start3A_140 = arith.constant 0 : i32
        %dma_start3A_141 = arith.constant 0 : i32
        %dma_start3A_142 = arith.constant 0 : i32
        %dma_start3A_143 = tpu.memref_slice %arg8[%dma_start3A_140, %dma_start3A_141, %dma_start3A_142] : memref<2x16x128xi32, #tpu.memory_space<vmem>> -> memref<1x16x128xi32, #tpu.memory_space<vmem>>
        %dma_start3A_144 = tpu.memref_squeeze %dma_start3A_143 : memref<1x16x128xi32, #tpu.memory_space<vmem>> -> memref<16x128xi32, #tpu.memory_space<vmem>>
        %dma_start3A_145 = arith.constant 0 : i32
        %dma_start3A_146 = tpu.memref_slice %arg4[%add3A, %mul3A_139, %dma_start3A_145] : memref<32x80x128xi32, #tpu.memory_space<hbm>> -> memref<1x16x128xi32, #tpu.memory_space<hbm>>
        %dma_start3A_147 = tpu.memref_squeeze %dma_start3A_146 : memref<1x16x128xi32, #tpu.memory_space<hbm>> -> memref<16x128xi32, #tpu.memory_space<hbm>>
        %dma_start3A_148 = arith.constant 0 : i32
        %dma_start3A_149 = arith.constant 0 : i32
        %dma_start3A_150 = tpu.memref_slice %arg8[%dma_start3A_140, %dma_start3A_148, %dma_start3A_149] : memref<2x16x128xi32, #tpu.memory_space<vmem>> -> memref<1x16x128xi32, #tpu.memory_space<vmem>>
        %dma_start3A_151 = tpu.memref_squeeze %dma_start3A_150 : memref<1x16x128xi32, #tpu.memory_space<vmem>> -> memref<16x128xi32, #tpu.memory_space<vmem>>
        %dma_start3A_152 = arith.constant 0 : i32
        %dma_start3A_153 = tpu.memref_slice %arg4[%add3A, %mul3A_139, %dma_start3A_152] : memref<32x80x128xi32, #tpu.memory_space<hbm>> -> memref<1x16x128xi32, #tpu.memory_space<hbm>>
        %dma_start3A_154 = tpu.memref_squeeze %dma_start3A_153 : memref<1x16x128xi32, #tpu.memory_space<hbm>> -> memref<16x128xi32, #tpu.memory_space<hbm>>
        tpu.enqueue_dma source(%dma_start3A_154 : memref<16x128xi32, #tpu.memory_space<hbm>>) target(%dma_start3A_151 : memref<16x128xi32, #tpu.memory_space<vmem>>) target_semaphore(%arg13 : memref<!tpu.dma_semaphore, #tpu.memory_space<semaphore_mem>>)
      } else {
      }
      %dma_start3A_91 = arith.constant 1 : i32
      %dma_start3A_92 = arith.constant 1 : i32
      %dma_start3A_93 = arith.constant 1 : i32
      %dma_start3A_94 = arith.constant 0 : i32
      %dma_start3A_95 = arith.constant 0 : i32
      %dma_start3A_96 = tpu.memref_slice %arg9[%dma_start3A_93, %dma_start3A_94, %dma_start3A_95] : memref<2x128x128xf32, #tpu.memory_space<vmem>> -> memref<1x128x128xf32, #tpu.memory_space<vmem>>
      %dma_start3A_97 = tpu.memref_squeeze %dma_start3A_96 : memref<1x128x128xf32, #tpu.memory_space<vmem>> -> memref<128x128xf32, #tpu.memory_space<vmem>>
      %dma_start3A_98 = arith.constant 0 : i32
      %dma_start3A_99 = tpu.memref_slice %arg7[%dma_start3A_91, %dma_start3A_92, %dma_start3A_98] : memref<2x16x128xi32, #tpu.memory_space<vmem>> -> memref<1x1x128xi32, #tpu.memory_space<vmem>>
      %dma_start3A_100 = tpu.memref_squeeze %dma_start3A_99 : memref<1x1x128xi32, #tpu.memory_space<vmem>> -> memref<128xi32, #tpu.memory_space<vmem>>
      %dma_start3A_101 = arith.constant 0 : i32
      %dma_start3A_102 = arith.constant 0 : i32
      %dma_start3A_103 = tpu.memref_slice %arg2[%dma_start3A_101, %dma_start3A_102] : memref<10240x128xf32, #tpu.memory_space<hbm>> -> memref<10240x128xf32, #tpu.memory_space<hbm>>
      tpu.enqueue_indirect_dma source(%dma_start3A_103 : memref<10240x128xf32, #tpu.memory_space<hbm>>) target(%dma_start3A_97 : memref<128x128xf32, #tpu.memory_space<vmem>>) offsets(%dma_start3A_100 : memref<128xi32, #tpu.memory_space<vmem>>) semaphore(%arg11 : memref<!tpu.dma_semaphore, #tpu.memory_space<semaphore_mem>>)
      %scan3A_104 = arith.constant 0 : i32
      %scan3A_105 = arith.constant 0 : i32
      %scan3A_106 = arith.constant 8 : i32
      %scan3A_107 = arith.addi %scan3A_105, %scan3A_106 : i32
      %scan3A_108 = arith.constant 1 : i32
      scf.for %scan3A_117 = %scan3A_105 to %scan3A_107 step %scan3A_108  : i32 {
        %mul3A_118 = arith.constant 2 : i32
        %mul3A_119 = arith.muli %mul3A_118, %scan3A_117 : i32
        %dma_wait3A = arith.constant 1 : i32
        %dma_wait3A_120 = arith.constant 0 : i32
        %dma_wait3A_121 = arith.constant 0 : i32
        %dma_wait3A_122 = arith.constant 0 : i32
        %dma_wait3A_123 = tpu.memref_slice %arg9[%dma_wait3A_120, %dma_wait3A_121, %dma_wait3A_122] : memref<2x128x128xf32, #tpu.memory_space<vmem>> -> memref<1x128x128xf32, #tpu.memory_space<vmem>>
        %dma_wait3A_124 = tpu.memref_squeeze %dma_wait3A_123 : memref<1x128x128xf32, #tpu.memory_space<vmem>> -> memref<128x128xf32, #tpu.memory_space<vmem>>
        %dma_wait3A_125 = arith.constant 0 : i32
        %dma_wait3A_126 = tpu.memref_slice %arg7[%dma_wait3A, %mul3A_119, %dma_wait3A_125] : memref<2x16x128xi32, #tpu.memory_space<vmem>> -> memref<1x1x128xi32, #tpu.memory_space<vmem>>
        %dma_wait3A_127 = tpu.memref_squeeze %dma_wait3A_126 : memref<1x1x128xi32, #tpu.memory_space<vmem>> -> memref<128xi32, #tpu.memory_space<vmem>>
        %dma_wait3A_128 = arith.constant 0 : i32
        %dma_wait3A_129 = arith.constant 0 : i32
        %dma_wait3A_130 = tpu.memref_slice %arg2[%dma_wait3A_128, %dma_wait3A_129] : memref<10240x128xf32, #tpu.memory_space<hbm>> -> memref<10240x128xf32, #tpu.memory_space<hbm>>
        tpu.wait_indirect_dma semaphore(%arg11 : memref<!tpu.dma_semaphore, #tpu.memory_space<semaphore_mem>>) src(%dma_wait3A_130 : memref<10240x128xf32, #tpu.memory_space<hbm>>) dst(%dma_wait3A_124 : memref<128x128xf32, #tpu.memory_space<vmem>>)
        %dma_start3A_131 = arith.constant 0 : i32
        %dma_start3A_132 = arith.constant 1 : i32
        %dma_start3A_133 = arith.constant 0 : i32
        %dma_start3A_134 = arith.constant 0 : i32
        %dma_start3A_135 = tpu.memref_slice %arg9[%dma_start3A_131, %dma_start3A_133, %dma_start3A_134] : memref<2x128x128xf32, #tpu.memory_space<vmem>> -> memref<1x128x128xf32, #tpu.memory_space<vmem>>
        %dma_start3A_136 = tpu.memref_squeeze %dma_start3A_135 : memref<1x128x128xf32, #tpu.memory_space<vmem>> -> memref<128x128xf32, #tpu.memory_space<vmem>>
        %dma_start3A_137 = arith.constant 0 : i32
        %dma_start3A_138 = tpu.memref_slice %arg8[%dma_start3A_132, %mul3A_119, %dma_start3A_137] : memref<2x16x128xi32, #tpu.memory_space<vmem>> -> memref<1x1x128xi32, #tpu.memory_space<vmem>>
        %dma_start3A_139 = tpu.memref_squeeze %dma_start3A_138 : memref<1x1x128xi32, #tpu.memory_space<vmem>> -> memref<128xi32, #tpu.memory_space<vmem>>
        %dma_start3A_140 = arith.constant 0 : i32
        %dma_start3A_141 = arith.constant 0 : i32
        %dma_start3A_142 = tpu.memref_slice %arg10[%dma_start3A_140, %dma_start3A_141] : memref<10240x128xf32, #tpu.memory_space<vmem_shared>> -> memref<10240x128xf32, #tpu.memory_space<vmem_shared>>
        tpu.enqueue_indirect_dma source(%dma_start3A_136 : memref<128x128xf32, #tpu.memory_space<vmem>>) target(%dma_start3A_142 : memref<10240x128xf32, #tpu.memory_space<vmem_shared>>) offsets(%dma_start3A_139 : memref<128xi32, #tpu.memory_space<vmem>>) semaphore(%arg12 : memref<!tpu.dma_semaphore, #tpu.memory_space<semaphore_mem>>) {add = true}
        %add3A_143 = arith.constant 1 : i32
        %add3A_144 = arith.addi %mul3A_119, %add3A_143 : i32
        %dma_wait3A_145 = arith.constant 1 : i32
        %dma_wait3A_146 = arith.constant 1 : i32
        %dma_wait3A_147 = arith.constant 0 : i32
        %dma_wait3A_148 = arith.constant 0 : i32
        %dma_wait3A_149 = tpu.memref_slice %arg9[%dma_wait3A_146, %dma_wait3A_147, %dma_wait3A_148] : memref<2x128x128xf32, #tpu.memory_space<vmem>> -> memref<1x128x128xf32, #tpu.memory_space<vmem>>
        %dma_wait3A_150 = tpu.memref_squeeze %dma_wait3A_149 : memref<1x128x128xf32, #tpu.memory_space<vmem>> -> memref<128x128xf32, #tpu.memory_space<vmem>>
        %dma_wait3A_151 = arith.constant 0 : i32
        %dma_wait3A_152 = tpu.memref_slice %arg7[%dma_wait3A_145, %add3A_144, %dma_wait3A_151] : memref<2x16x128xi32, #tpu.memory_space<vmem>> -> memref<1x1x128xi32, #tpu.memory_space<vmem>>
        %dma_wait3A_153 = tpu.memref_squeeze %dma_wait3A_152 : memref<1x1x128xi32, #tpu.memory_space<vmem>> -> memref<128xi32, #tpu.memory_space<vmem>>
        %dma_wait3A_154 = arith.constant 0 : i32
        %dma_wait3A_155 = arith.constant 0 : i32
        %dma_wait3A_156 = tpu.memref_slice %arg2[%dma_wait3A_154, %dma_wait3A_155] : memref<10240x128xf32, #tpu.memory_space<hbm>> -> memref<10240x128xf32, #tpu.memory_space<hbm>>
        tpu.wait_indirect_dma semaphore(%arg11 : memref<!tpu.dma_semaphore, #tpu.memory_space<semaphore_mem>>) src(%dma_wait3A_156 : memref<10240x128xf32, #tpu.memory_space<hbm>>) dst(%dma_wait3A_150 : memref<128x128xf32, #tpu.memory_space<vmem>>)
        %add3A_157 = arith.constant 1 : i32
        %add3A_158 = arith.addi %mul3A_119, %add3A_157 : i32
        %dma_start3A_159 = arith.constant 1 : i32
        %dma_start3A_160 = arith.constant 1 : i32
        %dma_start3A_161 = arith.constant 0 : i32
        %dma_start3A_162 = arith.constant 0 : i32
        %dma_start3A_163 = tpu.memref_slice %arg9[%dma_start3A_159, %dma_start3A_161, %dma_start3A_162] : memref<2x128x128xf32, #tpu.memory_space<vmem>> -> memref<1x128x128xf32, #tpu.memory_space<vmem>>
        %dma_start3A_164 = tpu.memref_squeeze %dma_start3A_163 : memref<1x128x128xf32, #tpu.memory_space<vmem>> -> memref<128x128xf32, #tpu.memory_space<vmem>>
        %dma_start3A_165 = arith.constant 0 : i32
        %dma_start3A_166 = tpu.memref_slice %arg8[%dma_start3A_160, %add3A_158, %dma_start3A_165] : memref<2x16x128xi32, #tpu.memory_space<vmem>> -> memref<1x1x128xi32, #tpu.memory_space<vmem>>
        %dma_start3A_167 = tpu.memref_squeeze %dma_start3A_166 : memref<1x1x128xi32, #tpu.memory_space<vmem>> -> memref<128xi32, #tpu.memory_space<vmem>>
        %dma_start3A_168 = arith.constant 0 : i32
        %dma_start3A_169 = arith.constant 0 : i32
        %dma_start3A_170 = tpu.memref_slice %arg10[%dma_start3A_168, %dma_start3A_169] : memref<10240x128xf32, #tpu.memory_space<vmem_shared>> -> memref<10240x128xf32, #tpu.memory_space<vmem_shared>>
        tpu.enqueue_indirect_dma source(%dma_start3A_164 : memref<128x128xf32, #tpu.memory_space<vmem>>) target(%dma_start3A_170 : memref<10240x128xf32, #tpu.memory_space<vmem_shared>>) offsets(%dma_start3A_167 : memref<128xi32, #tpu.memory_space<vmem>>) semaphore(%arg12 : memref<!tpu.dma_semaphore, #tpu.memory_space<semaphore_mem>>) {add = true}
        %dma_wait3A_171 = arith.constant 0 : i32
        %dma_wait3A_172 = arith.constant 1 : i32
        %dma_wait3A_173 = arith.constant 0 : i32
        %dma_wait3A_174 = arith.constant 0 : i32
        %dma_wait3A_175 = tpu.memref_slice %arg9[%dma_wait3A_171, %dma_wait3A_173, %dma_wait3A_174] : memref<2x128x128xf32, #tpu.memory_space<vmem>> -> memref<1x128x128xf32, #tpu.memory_space<vmem>>
        %dma_wait3A_176 = tpu.memref_squeeze %dma_wait3A_175 : memref<1x128x128xf32, #tpu.memory_space<vmem>> -> memref<128x128xf32, #tpu.memory_space<vmem>>
        %dma_wait3A_177 = arith.constant 0 : i32
        %dma_wait3A_178 = tpu.memref_slice %arg8[%dma_wait3A_172, %mul3A_119, %dma_wait3A_177] : memref<2x16x128xi32, #tpu.memory_space<vmem>> -> memref<1x1x128xi32, #tpu.memory_space<vmem>>
        %dma_wait3A_179 = tpu.memref_squeeze %dma_wait3A_178 : memref<1x1x128xi32, #tpu.memory_space<vmem>> -> memref<128xi32, #tpu.memory_space<vmem>>
        %dma_wait3A_180 = arith.constant 0 : i32
        %dma_wait3A_181 = arith.constant 0 : i32
        %dma_wait3A_182 = tpu.memref_slice %arg10[%dma_wait3A_180, %dma_wait3A_181] : memref<10240x128xf32, #tpu.memory_space<vmem_shared>> -> memref<10240x128xf32, #tpu.memory_space<vmem_shared>>
        tpu.wait_indirect_dma semaphore(%arg12 : memref<!tpu.dma_semaphore, #tpu.memory_space<semaphore_mem>>) src(%dma_wait3A_176 : memref<128x128xf32, #tpu.memory_space<vmem>>) dst(%dma_wait3A_182 : memref<10240x128xf32, #tpu.memory_space<vmem_shared>>)
        %add3A_183 = arith.constant 2 : i32
        %add3A_184 = arith.addi %mul3A_119, %add3A_183 : i32
        %lt3A_185 = arith.constant 16 : i32
        %lt3A_186 = arith.cmpi slt, %add3A_184, %lt3A_185 : i32
        %convert_element_type3A_187 = arith.extui %lt3A_186 : i1 to i32
        %cond3A_188 = arith.constant 0 : i32
        %cond3A_189 = arith.cmpi ne, %convert_element_type3A_187, %cond3A_188 : i32
        scf.if %cond3A_189 {
          %add3A_211 = arith.constant 2 : i32
          %add3A_212 = arith.addi %mul3A_119, %add3A_211 : i32
          %dma_start3A_213 = arith.constant 1 : i32
          %dma_start3A_214 = arith.constant 0 : i32
          %dma_start3A_215 = arith.constant 0 : i32
          %dma_start3A_216 = arith.constant 0 : i32
          %dma_start3A_217 = tpu.memref_slice %arg9[%dma_start3A_214, %dma_start3A_215, %dma_start3A_216] : memref<2x128x128xf32, #tpu.memory_space<vmem>> -> memref<1x128x128xf32, #tpu.memory_space<vmem>>
          %dma_start3A_218 = tpu.memref_squeeze %dma_start3A_217 : memref<1x128x128xf32, #tpu.memory_space<vmem>> -> memref<128x128xf32, #tpu.memory_space<vmem>>
          %dma_start3A_219 = arith.constant 0 : i32
          %dma_start3A_220 = tpu.memref_slice %arg7[%dma_start3A_213, %add3A_212, %dma_start3A_219] : memref<2x16x128xi32, #tpu.memory_space<vmem>> -> memref<1x1x128xi32, #tpu.memory_space<vmem>>
          %dma_start3A_221 = tpu.memref_squeeze %dma_start3A_220 : memref<1x1x128xi32, #tpu.memory_space<vmem>> -> memref<128xi32, #tpu.memory_space<vmem>>
          %dma_start3A_222 = arith.constant 0 : i32
          %dma_start3A_223 = arith.constant 0 : i32
          %dma_start3A_224 = tpu.memref_slice %arg2[%dma_start3A_222, %dma_start3A_223] : memref<10240x128xf32, #tpu.memory_space<hbm>> -> memref<10240x128xf32, #tpu.memory_space<hbm>>
          tpu.enqueue_indirect_dma source(%dma_start3A_224 : memref<10240x128xf32, #tpu.memory_space<hbm>>) target(%dma_start3A_218 : memref<128x128xf32, #tpu.memory_space<vmem>>) offsets(%dma_start3A_221 : memref<128xi32, #tpu.memory_space<vmem>>) semaphore(%arg11 : memref<!tpu.dma_semaphore, #tpu.memory_space<semaphore_mem>>)
        } else {
        }
        %add3A_190 = arith.constant 1 : i32
        %add3A_191 = arith.addi %mul3A_119, %add3A_190 : i32
        %dma_wait3A_192 = arith.constant 1 : i32
        %dma_wait3A_193 = arith.constant 1 : i32
        %dma_wait3A_194 = arith.constant 0 : i32
        %dma_wait3A_195 = arith.constant 0 : i32
        %dma_wait3A_196 = tpu.memref_slice %arg9[%dma_wait3A_192, %dma_wait3A_194, %dma_wait3A_195] : memref<2x128x128xf32, #tpu.memory_space<vmem>> -> memref<1x128x128xf32, #tpu.memory_space<vmem>>
        %dma_wait3A_197 = tpu.memref_squeeze %dma_wait3A_196 : memref<1x128x128xf32, #tpu.memory_space<vmem>> -> memref<128x128xf32, #tpu.memory_space<vmem>>
        %dma_wait3A_198 = arith.constant 0 : i32
        %dma_wait3A_199 = tpu.memref_slice %arg8[%dma_wait3A_193, %add3A_191, %dma_wait3A_198] : memref<2x16x128xi32, #tpu.memory_space<vmem>> -> memref<1x1x128xi32, #tpu.memory_space<vmem>>
        %dma_wait3A_200 = tpu.memref_squeeze %dma_wait3A_199 : memref<1x1x128xi32, #tpu.memory_space<vmem>> -> memref<128xi32, #tpu.memory_space<vmem>>
        %dma_wait3A_201 = arith.constant 0 : i32
        %dma_wait3A_202 = arith.constant 0 : i32
        %dma_wait3A_203 = tpu.memref_slice %arg10[%dma_wait3A_201, %dma_wait3A_202] : memref<10240x128xf32, #tpu.memory_space<vmem_shared>> -> memref<10240x128xf32, #tpu.memory_space<vmem_shared>>
        tpu.wait_indirect_dma semaphore(%arg12 : memref<!tpu.dma_semaphore, #tpu.memory_space<semaphore_mem>>) src(%dma_wait3A_197 : memref<128x128xf32, #tpu.memory_space<vmem>>) dst(%dma_wait3A_203 : memref<10240x128xf32, #tpu.memory_space<vmem_shared>>)
        %add3A_204 = arith.constant 3 : i32
        %add3A_205 = arith.addi %mul3A_119, %add3A_204 : i32
        %lt3A_206 = arith.constant 16 : i32
        %lt3A_207 = arith.cmpi slt, %add3A_205, %lt3A_206 : i32
        %convert_element_type3A_208 = arith.extui %lt3A_207 : i1 to i32
        %cond3A_209 = arith.constant 0 : i32
        %cond3A_210 = arith.cmpi ne, %convert_element_type3A_208, %cond3A_209 : i32
        scf.if %cond3A_210 {
          %add3A_211 = arith.constant 3 : i32
          %add3A_212 = arith.addi %mul3A_119, %add3A_211 : i32
          %dma_start3A_213 = arith.constant 1 : i32
          %dma_start3A_214 = arith.constant 1 : i32
          %dma_start3A_215 = arith.constant 0 : i32
          %dma_start3A_216 = arith.constant 0 : i32
          %dma_start3A_217 = tpu.memref_slice %arg9[%dma_start3A_214, %dma_start3A_215, %dma_start3A_216] : memref<2x128x128xf32, #tpu.memory_space<vmem>> -> memref<1x128x128xf32, #tpu.memory_space<vmem>>
          %dma_start3A_218 = tpu.memref_squeeze %dma_start3A_217 : memref<1x128x128xf32, #tpu.memory_space<vmem>> -> memref<128x128xf32, #tpu.memory_space<vmem>>
          %dma_start3A_219 = arith.constant 0 : i32
          %dma_start3A_220 = tpu.memref_slice %arg7[%dma_start3A_213, %add3A_212, %dma_start3A_219] : memref<2x16x128xi32, #tpu.memory_space<vmem>> -> memref<1x1x128xi32, #tpu.memory_space<vmem>>
          %dma_start3A_221 = tpu.memref_squeeze %dma_start3A_220 : memref<1x1x128xi32, #tpu.memory_space<vmem>> -> memref<128xi32, #tpu.memory_space<vmem>>
          %dma_start3A_222 = arith.constant 0 : i32
          %dma_start3A_223 = arith.constant 0 : i32
          %dma_start3A_224 = tpu.memref_slice %arg2[%dma_start3A_222, %dma_start3A_223] : memref<10240x128xf32, #tpu.memory_space<hbm>> -> memref<10240x128xf32, #tpu.memory_space<hbm>>
          tpu.enqueue_indirect_dma source(%dma_start3A_224 : memref<10240x128xf32, #tpu.memory_space<hbm>>) target(%dma_start3A_218 : memref<128x128xf32, #tpu.memory_space<vmem>>) offsets(%dma_start3A_221 : memref<128xi32, #tpu.memory_space<vmem>>) semaphore(%arg11 : memref<!tpu.dma_semaphore, #tpu.memory_space<semaphore_mem>>)
        } else {
        }
      }
      %scan3A_109 = arith.constant 8 : i32
      %add3A_110 = arith.constant 1 : i32
      %add3A_111 = arith.addi %add3A_83, %add3A_110 : i32
      %lt3A_112 = arith.constant 5 : i32
      %lt3A_113 = arith.cmpi slt, %add3A_111, %lt3A_112 : i32
      %convert_element_type3A_114 = arith.extui %lt3A_113 : i1 to i32
      %cond3A_115 = arith.constant 0 : i32
      %cond3A_116 = arith.cmpi ne, %convert_element_type3A_114, %cond3A_115 : i32
      scf.if %cond3A_116 {
        %add3A_117 = arith.constant 1 : i32
        %add3A_118 = arith.addi %add3A_83, %add3A_117 : i32
        %mul3A_119 = arith.constant 16 : i32
        %mul3A_120 = arith.muli %add3A_118, %mul3A_119 : i32
        %dma_wait3A = arith.constant 0 : i32
        %dma_wait3A_121 = arith.constant 0 : i32
        %dma_wait3A_122 = arith.constant 0 : i32
        %dma_wait3A_123 = tpu.memref_slice %arg7[%dma_wait3A, %dma_wait3A_121, %dma_wait3A_122] : memref<2x16x128xi32, #tpu.memory_space<vmem>> -> memref<1x16x128xi32, #tpu.memory_space<vmem>>
        %dma_wait3A_124 = tpu.memref_squeeze %dma_wait3A_123 : memref<1x16x128xi32, #tpu.memory_space<vmem>> -> memref<16x128xi32, #tpu.memory_space<vmem>>
        %dma_wait3A_125 = arith.constant 0 : i32
        %dma_wait3A_126 = tpu.memref_slice %arg3[%add3A, %mul3A_120, %dma_wait3A_125] : memref<32x80x128xi32, #tpu.memory_space<hbm>> -> memref<1x16x128xi32, #tpu.memory_space<hbm>>
        %dma_wait3A_127 = tpu.memref_squeeze %dma_wait3A_126 : memref<1x16x128xi32, #tpu.memory_space<hbm>> -> memref<16x128xi32, #tpu.memory_space<hbm>>
        %dma_wait3A_128 = arith.constant 0 : i32
        %dma_wait3A_129 = arith.constant 0 : i32
        %dma_wait3A_130 = tpu.memref_slice %arg7[%dma_wait3A, %dma_wait3A_128, %dma_wait3A_129] : memref<2x16x128xi32, #tpu.memory_space<vmem>> -> memref<1x16x128xi32, #tpu.memory_space<vmem>>
        %dma_wait3A_131 = tpu.memref_squeeze %dma_wait3A_130 : memref<1x16x128xi32, #tpu.memory_space<vmem>> -> memref<16x128xi32, #tpu.memory_space<vmem>>
        %dma_wait3A_132 = arith.constant 0 : i32
        %dma_wait3A_133 = tpu.memref_slice %arg3[%add3A, %mul3A_120, %dma_wait3A_132] : memref<32x80x128xi32, #tpu.memory_space<hbm>> -> memref<1x16x128xi32, #tpu.memory_space<hbm>>
        %dma_wait3A_134 = tpu.memref_squeeze %dma_wait3A_133 : memref<1x16x128xi32, #tpu.memory_space<hbm>> -> memref<16x128xi32, #tpu.memory_space<hbm>>
        tpu.wait_dma2 semaphore(%arg13 : memref<!tpu.dma_semaphore, #tpu.memory_space<semaphore_mem>>) src(%dma_wait3A_134 : memref<16x128xi32, #tpu.memory_space<hbm>>) dst(%dma_wait3A_131 : memref<16x128xi32, #tpu.memory_space<vmem>>)
        %add3A_135 = arith.constant 1 : i32
        %add3A_136 = arith.addi %add3A_83, %add3A_135 : i32
        %mul3A_137 = arith.constant 16 : i32
        %mul3A_138 = arith.muli %add3A_136, %mul3A_137 : i32
        %dma_wait3A_139 = arith.constant 0 : i32
        %dma_wait3A_140 = arith.constant 0 : i32
        %dma_wait3A_141 = arith.constant 0 : i32
        %dma_wait3A_142 = tpu.memref_slice %arg8[%dma_wait3A_139, %dma_wait3A_140, %dma_wait3A_141] : memref<2x16x128xi32, #tpu.memory_space<vmem>> -> memref<1x16x128xi32, #tpu.memory_space<vmem>>
        %dma_wait3A_143 = tpu.memref_squeeze %dma_wait3A_142 : memref<1x16x128xi32, #tpu.memory_space<vmem>> -> memref<16x128xi32, #tpu.memory_space<vmem>>
        %dma_wait3A_144 = arith.constant 0 : i32
        %dma_wait3A_145 = tpu.memref_slice %arg4[%add3A, %mul3A_138, %dma_wait3A_144] : memref<32x80x128xi32, #tpu.memory_space<hbm>> -> memref<1x16x128xi32, #tpu.memory_space<hbm>>
        %dma_wait3A_146 = tpu.memref_squeeze %dma_wait3A_145 : memref<1x16x128xi32, #tpu.memory_space<hbm>> -> memref<16x128xi32, #tpu.memory_space<hbm>>
        %dma_wait3A_147 = arith.constant 0 : i32
        %dma_wait3A_148 = arith.constant 0 : i32
        %dma_wait3A_149 = tpu.memref_slice %arg8[%dma_wait3A_139, %dma_wait3A_147, %dma_wait3A_148] : memref<2x16x128xi32, #tpu.memory_space<vmem>> -> memref<1x16x128xi32, #tpu.memory_space<vmem>>
        %dma_wait3A_150 = tpu.memref_squeeze %dma_wait3A_149 : memref<1x16x128xi32, #tpu.memory_space<vmem>> -> memref<16x128xi32, #tpu.memory_space<vmem>>
        %dma_wait3A_151 = arith.constant 0 : i32
        %dma_wait3A_152 = tpu.memref_slice %arg4[%add3A, %mul3A_138, %dma_wait3A_151] : memref<32x80x128xi32, #tpu.memory_space<hbm>> -> memref<1x16x128xi32, #tpu.memory_space<hbm>>
        %dma_wait3A_153 = tpu.memref_squeeze %dma_wait3A_152 : memref<1x16x128xi32, #tpu.memory_space<hbm>> -> memref<16x128xi32, #tpu.memory_space<hbm>>
        tpu.wait_dma2 semaphore(%arg13 : memref<!tpu.dma_semaphore, #tpu.memory_space<semaphore_mem>>) src(%dma_wait3A_153 : memref<16x128xi32, #tpu.memory_space<hbm>>) dst(%dma_wait3A_150 : memref<16x128xi32, #tpu.memory_space<vmem>>)
        %dma_start3A_154 = arith.constant 0 : i32
        %dma_start3A_155 = arith.constant 0 : i32
        %dma_start3A_156 = arith.constant 0 : i32
        %dma_start3A_157 = arith.constant 0 : i32
        %dma_start3A_158 = arith.constant 0 : i32
        %dma_start3A_159 = tpu.memref_slice %arg9[%dma_start3A_156, %dma_start3A_157, %dma_start3A_158] : memref<2x128x128xf32, #tpu.memory_space<vmem>> -> memref<1x128x128xf32, #tpu.memory_space<vmem>>
        %dma_start3A_160 = tpu.memref_squeeze %dma_start3A_159 : memref<1x128x128xf32, #tpu.memory_space<vmem>> -> memref<128x128xf32, #tpu.memory_space<vmem>>
        %dma_start3A_161 = arith.constant 0 : i32
        %dma_start3A_162 = tpu.memref_slice %arg7[%dma_start3A_154, %dma_start3A_155, %dma_start3A_161] : memref<2x16x128xi32, #tpu.memory_space<vmem>> -> memref<1x1x128xi32, #tpu.memory_space<vmem>>
        %dma_start3A_163 = tpu.memref_squeeze %dma_start3A_162 : memref<1x1x128xi32, #tpu.memory_space<vmem>> -> memref<128xi32, #tpu.memory_space<vmem>>
        %dma_start3A_164 = arith.constant 0 : i32
        %dma_start3A_165 = arith.constant 0 : i32
        %dma_start3A_166 = tpu.memref_slice %arg2[%dma_start3A_164, %dma_start3A_165] : memref<10240x128xf32, #tpu.memory_space<hbm>> -> memref<10240x128xf32, #tpu.memory_space<hbm>>
        tpu.enqueue_indirect_dma source(%dma_start3A_166 : memref<10240x128xf32, #tpu.memory_space<hbm>>) target(%dma_start3A_160 : memref<128x128xf32, #tpu.memory_space<vmem>>) offsets(%dma_start3A_163 : memref<128xi32, #tpu.memory_space<vmem>>) semaphore(%arg11 : memref<!tpu.dma_semaphore, #tpu.memory_space<semaphore_mem>>)
      } else {
      }
    }
    %scan3A_20 = arith.constant 2 : i32
    %dma_start3A_21 = arith.constant 0 : i32
    %dma_start3A_22 = arith.constant 1 : i32
    %dma_start3A_23 = arith.constant 1 : i32
    %dma_start3A_24 = arith.constant 0 : i32
    %dma_start3A_25 = arith.constant 0 : i32
    %dma_start3A_26 = tpu.memref_slice %arg9[%dma_start3A_23, %dma_start3A_24, %dma_start3A_25] : memref<2x128x128xf32, #tpu.memory_space<vmem>> -> memref<1x128x128xf32, #tpu.memory_space<vmem>>
    %dma_start3A_27 = tpu.memref_squeeze %dma_start3A_26 : memref<1x128x128xf32, #tpu.memory_space<vmem>> -> memref<128x128xf32, #tpu.memory_space<vmem>>
    %dma_start3A_28 = arith.constant 0 : i32
    %dma_start3A_29 = tpu.memref_slice %arg7[%dma_start3A_21, %dma_start3A_22, %dma_start3A_28] : memref<2x16x128xi32, #tpu.memory_space<vmem>> -> memref<1x1x128xi32, #tpu.memory_space<vmem>>
    %dma_start3A_30 = tpu.memref_squeeze %dma_start3A_29 : memref<1x1x128xi32, #tpu.memory_space<vmem>> -> memref<128xi32, #tpu.memory_space<vmem>>
    %dma_start3A_31 = arith.constant 0 : i32
    %dma_start3A_32 = arith.constant 0 : i32
    %dma_start3A_33 = tpu.memref_slice %arg2[%dma_start3A_31, %dma_start3A_32] : memref<10240x128xf32, #tpu.memory_space<hbm>> -> memref<10240x128xf32, #tpu.memory_space<hbm>>
    tpu.enqueue_indirect_dma source(%dma_start3A_33 : memref<10240x128xf32, #tpu.memory_space<hbm>>) target(%dma_start3A_27 : memref<128x128xf32, #tpu.memory_space<vmem>>) offsets(%dma_start3A_30 : memref<128xi32, #tpu.memory_space<vmem>>) semaphore(%arg11 : memref<!tpu.dma_semaphore, #tpu.memory_space<semaphore_mem>>)
    %scan3A_34 = arith.constant 0 : i32
    %scan3A_35 = arith.constant 0 : i32
    %scan3A_36 = arith.constant 8 : i32
    %scan3A_37 = arith.addi %scan3A_35, %scan3A_36 : i32
    %scan3A_38 = arith.constant 1 : i32
    scf.for %scan3A_45 = %scan3A_35 to %scan3A_37 step %scan3A_38  : i32 {
      %mul3A_46 = arith.constant 2 : i32
      %mul3A_47 = arith.muli %mul3A_46, %scan3A_45 : i32
      %dma_wait3A = arith.constant 0 : i32
      %dma_wait3A_48 = arith.constant 0 : i32
      %dma_wait3A_49 = arith.constant 0 : i32
      %dma_wait3A_50 = arith.constant 0 : i32
      %dma_wait3A_51 = tpu.memref_slice %arg9[%dma_wait3A_48, %dma_wait3A_49, %dma_wait3A_50] : memref<2x128x128xf32, #tpu.memory_space<vmem>> -> memref<1x128x128xf32, #tpu.memory_space<vmem>>
      %dma_wait3A_52 = tpu.memref_squeeze %dma_wait3A_51 : memref<1x128x128xf32, #tpu.memory_space<vmem>> -> memref<128x128xf32, #tpu.memory_space<vmem>>
      %dma_wait3A_53 = arith.constant 0 : i32
      %dma_wait3A_54 = tpu.memref_slice %arg7[%dma_wait3A, %mul3A_47, %dma_wait3A_53] : memref<2x16x128xi32, #tpu.memory_space<vmem>> -> memref<1x1x128xi32, #tpu.memory_space<vmem>>
      %dma_wait3A_55 = tpu.memref_squeeze %dma_wait3A_54 : memref<1x1x128xi32, #tpu.memory_space<vmem>> -> memref<128xi32, #tpu.memory_space<vmem>>
      %dma_wait3A_56 = arith.constant 0 : i32
      %dma_wait3A_57 = arith.constant 0 : i32
      %dma_wait3A_58 = tpu.memref_slice %arg2[%dma_wait3A_56, %dma_wait3A_57] : memref<10240x128xf32, #tpu.memory_space<hbm>> -> memref<10240x128xf32, #tpu.memory_space<hbm>>
      tpu.wait_indirect_dma semaphore(%arg11 : memref<!tpu.dma_semaphore, #tpu.memory_space<semaphore_mem>>) src(%dma_wait3A_58 : memref<10240x128xf32, #tpu.memory_space<hbm>>) dst(%dma_wait3A_52 : memref<128x128xf32, #tpu.memory_space<vmem>>)
      %dma_start3A_59 = arith.constant 0 : i32
      %dma_start3A_60 = arith.constant 0 : i32
      %dma_start3A_61 = arith.constant 0 : i32
      %dma_start3A_62 = arith.constant 0 : i32
      %dma_start3A_63 = tpu.memref_slice %arg9[%dma_start3A_59, %dma_start3A_61, %dma_start3A_62] : memref<2x128x128xf32, #tpu.memory_space<vmem>> -> memref<1x128x128xf32, #tpu.memory_space<vmem>>
      %dma_start3A_64 = tpu.memref_squeeze %dma_start3A_63 : memref<1x128x128xf32, #tpu.memory_space<vmem>> -> memref<128x128xf32, #tpu.memory_space<vmem>>
      %dma_start3A_65 = arith.constant 0 : i32
      %dma_start3A_66 = tpu.memref_slice %arg8[%dma_start3A_60, %mul3A_47, %dma_start3A_65] : memref<2x16x128xi32, #tpu.memory_space<vmem>> -> memref<1x1x128xi32, #tpu.memory_space<vmem>>
      %dma_start3A_67 = tpu.memref_squeeze %dma_start3A_66 : memref<1x1x128xi32, #tpu.memory_space<vmem>> -> memref<128xi32, #tpu.memory_space<vmem>>
      %dma_start3A_68 = arith.constant 0 : i32
      %dma_start3A_69 = arith.constant 0 : i32
      %dma_start3A_70 = tpu.memref_slice %arg10[%dma_start3A_68, %dma_start3A_69] : memref<10240x128xf32, #tpu.memory_space<vmem_shared>> -> memref<10240x128xf32, #tpu.memory_space<vmem_shared>>
      tpu.enqueue_indirect_dma source(%dma_start3A_64 : memref<128x128xf32, #tpu.memory_space<vmem>>) target(%dma_start3A_70 : memref<10240x128xf32, #tpu.memory_space<vmem_shared>>) offsets(%dma_start3A_67 : memref<128xi32, #tpu.memory_space<vmem>>) semaphore(%arg12 : memref<!tpu.dma_semaphore, #tpu.memory_space<semaphore_mem>>) {add = true}
      %add3A_71 = arith.constant 1 : i32
      %add3A_72 = arith.addi %mul3A_47, %add3A_71 : i32
      %dma_wait3A_73 = arith.constant 0 : i32
      %dma_wait3A_74 = arith.constant 1 : i32
      %dma_wait3A_75 = arith.constant 0 : i32
      %dma_wait3A_76 = arith.constant 0 : i32
      %dma_wait3A_77 = tpu.memref_slice %arg9[%dma_wait3A_74, %dma_wait3A_75, %dma_wait3A_76] : memref<2x128x128xf32, #tpu.memory_space<vmem>> -> memref<1x128x128xf32, #tpu.memory_space<vmem>>
      %dma_wait3A_78 = tpu.memref_squeeze %dma_wait3A_77 : memref<1x128x128xf32, #tpu.memory_space<vmem>> -> memref<128x128xf32, #tpu.memory_space<vmem>>
      %dma_wait3A_79 = arith.constant 0 : i32
      %dma_wait3A_80 = tpu.memref_slice %arg7[%dma_wait3A_73, %add3A_72, %dma_wait3A_79] : memref<2x16x128xi32, #tpu.memory_space<vmem>> -> memref<1x1x128xi32, #tpu.memory_space<vmem>>
      %dma_wait3A_81 = tpu.memref_squeeze %dma_wait3A_80 : memref<1x1x128xi32, #tpu.memory_space<vmem>> -> memref<128xi32, #tpu.memory_space<vmem>>
      %dma_wait3A_82 = arith.constant 0 : i32
      %dma_wait3A_83 = arith.constant 0 : i32
      %dma_wait3A_84 = tpu.memref_slice %arg2[%dma_wait3A_82, %dma_wait3A_83] : memref<10240x128xf32, #tpu.memory_space<hbm>> -> memref<10240x128xf32, #tpu.memory_space<hbm>>
      tpu.wait_indirect_dma semaphore(%arg11 : memref<!tpu.dma_semaphore, #tpu.memory_space<semaphore_mem>>) src(%dma_wait3A_84 : memref<10240x128xf32, #tpu.memory_space<hbm>>) dst(%dma_wait3A_78 : memref<128x128xf32, #tpu.memory_space<vmem>>)
      %add3A_85 = arith.constant 1 : i32
      %add3A_86 = arith.addi %mul3A_47, %add3A_85 : i32
      %dma_start3A_87 = arith.constant 1 : i32
      %dma_start3A_88 = arith.constant 0 : i32
      %dma_start3A_89 = arith.constant 0 : i32
      %dma_start3A_90 = arith.constant 0 : i32
      %dma_start3A_91 = tpu.memref_slice %arg9[%dma_start3A_87, %dma_start3A_89, %dma_start3A_90] : memref<2x128x128xf32, #tpu.memory_space<vmem>> -> memref<1x128x128xf32, #tpu.memory_space<vmem>>
      %dma_start3A_92 = tpu.memref_squeeze %dma_start3A_91 : memref<1x128x128xf32, #tpu.memory_space<vmem>> -> memref<128x128xf32, #tpu.memory_space<vmem>>
      %dma_start3A_93 = arith.constant 0 : i32
      %dma_start3A_94 = tpu.memref_slice %arg8[%dma_start3A_88, %add3A_86, %dma_start3A_93] : memref<2x16x128xi32, #tpu.memory_space<vmem>> -> memref<1x1x128xi32, #tpu.memory_space<vmem>>
      %dma_start3A_95 = tpu.memref_squeeze %dma_start3A_94 : memref<1x1x128xi32, #tpu.memory_space<vmem>> -> memref<128xi32, #tpu.memory_space<vmem>>
      %dma_start3A_96 = arith.constant 0 : i32
      %dma_start3A_97 = arith.constant 0 : i32
      %dma_start3A_98 = tpu.memref_slice %arg10[%dma_start3A_96, %dma_start3A_97] : memref<10240x128xf32, #tpu.memory_space<vmem_shared>> -> memref<10240x128xf32, #tpu.memory_space<vmem_shared>>
      tpu.enqueue_indirect_dma source(%dma_start3A_92 : memref<128x128xf32, #tpu.memory_space<vmem>>) target(%dma_start3A_98 : memref<10240x128xf32, #tpu.memory_space<vmem_shared>>) offsets(%dma_start3A_95 : memref<128xi32, #tpu.memory_space<vmem>>) semaphore(%arg12 : memref<!tpu.dma_semaphore, #tpu.memory_space<semaphore_mem>>) {add = true}
      %dma_wait3A_99 = arith.constant 0 : i32
      %dma_wait3A_100 = arith.constant 0 : i32
      %dma_wait3A_101 = arith.constant 0 : i32
      %dma_wait3A_102 = arith.constant 0 : i32
      %dma_wait3A_103 = tpu.memref_slice %arg9[%dma_wait3A_99, %dma_wait3A_101, %dma_wait3A_102] : memref<2x128x128xf32, #tpu.memory_space<vmem>> -> memref<1x128x128xf32, #tpu.memory_space<vmem>>
      %dma_wait3A_104 = tpu.memref_squeeze %dma_wait3A_103 : memref<1x128x128xf32, #tpu.memory_space<vmem>> -> memref<128x128xf32, #tpu.memory_space<vmem>>
      %dma_wait3A_105 = arith.constant 0 : i32
      %dma_wait3A_106 = tpu.memref_slice %arg8[%dma_wait3A_100, %mul3A_47, %dma_wait3A_105] : memref<2x16x128xi32, #tpu.memory_space<vmem>> -> memref<1x1x128xi32, #tpu.memory_space<vmem>>
      %dma_wait3A_107 = tpu.memref_squeeze %dma_wait3A_106 : memref<1x1x128xi32, #tpu.memory_space<vmem>> -> memref<128xi32, #tpu.memory_space<vmem>>
      %dma_wait3A_108 = arith.constant 0 : i32
      %dma_wait3A_109 = arith.constant 0 : i32
      %dma_wait3A_110 = tpu.memref_slice %arg10[%dma_wait3A_108, %dma_wait3A_109] : memref<10240x128xf32, #tpu.memory_space<vmem_shared>> -> memref<10240x128xf32, #tpu.memory_space<vmem_shared>>
      tpu.wait_indirect_dma semaphore(%arg12 : memref<!tpu.dma_semaphore, #tpu.memory_space<semaphore_mem>>) src(%dma_wait3A_104 : memref<128x128xf32, #tpu.memory_space<vmem>>) dst(%dma_wait3A_110 : memref<10240x128xf32, #tpu.memory_space<vmem_shared>>)
      %add3A_111 = arith.constant 2 : i32
      %add3A_112 = arith.addi %mul3A_47, %add3A_111 : i32
      %lt3A = arith.constant 16 : i32
      %lt3A_113 = arith.cmpi slt, %add3A_112, %lt3A : i32
      %convert_element_type3A = arith.extui %lt3A_113 : i1 to i32
      %cond3A = arith.constant 0 : i32
      %cond3A_114 = arith.cmpi ne, %convert_element_type3A, %cond3A : i32
      scf.if %cond3A_114 {
        %add3A_136 = arith.constant 2 : i32
        %add3A_137 = arith.addi %mul3A_47, %add3A_136 : i32
        %dma_start3A_138 = arith.constant 0 : i32
        %dma_start3A_139 = arith.constant 0 : i32
        %dma_start3A_140 = arith.constant 0 : i32
        %dma_start3A_141 = arith.constant 0 : i32
        %dma_start3A_142 = tpu.memref_slice %arg9[%dma_start3A_139, %dma_start3A_140, %dma_start3A_141] : memref<2x128x128xf32, #tpu.memory_space<vmem>> -> memref<1x128x128xf32, #tpu.memory_space<vmem>>
        %dma_start3A_143 = tpu.memref_squeeze %dma_start3A_142 : memref<1x128x128xf32, #tpu.memory_space<vmem>> -> memref<128x128xf32, #tpu.memory_space<vmem>>
        %dma_start3A_144 = arith.constant 0 : i32
        %dma_start3A_145 = tpu.memref_slice %arg7[%dma_start3A_138, %add3A_137, %dma_start3A_144] : memref<2x16x128xi32, #tpu.memory_space<vmem>> -> memref<1x1x128xi32, #tpu.memory_space<vmem>>
        %dma_start3A_146 = tpu.memref_squeeze %dma_start3A_145 : memref<1x1x128xi32, #tpu.memory_space<vmem>> -> memref<128xi32, #tpu.memory_space<vmem>>
        %dma_start3A_147 = arith.constant 0 : i32
        %dma_start3A_148 = arith.constant 0 : i32
        %dma_start3A_149 = tpu.memref_slice %arg2[%dma_start3A_147, %dma_start3A_148] : memref<10240x128xf32, #tpu.memory_space<hbm>> -> memref<10240x128xf32, #tpu.memory_space<hbm>>
        tpu.enqueue_indirect_dma source(%dma_start3A_149 : memref<10240x128xf32, #tpu.memory_space<hbm>>) target(%dma_start3A_143 : memref<128x128xf32, #tpu.memory_space<vmem>>) offsets(%dma_start3A_146 : memref<128xi32, #tpu.memory_space<vmem>>) semaphore(%arg11 : memref<!tpu.dma_semaphore, #tpu.memory_space<semaphore_mem>>)
      } else {
      }
      %add3A_115 = arith.constant 1 : i32
      %add3A_116 = arith.addi %mul3A_47, %add3A_115 : i32
      %dma_wait3A_117 = arith.constant 1 : i32
      %dma_wait3A_118 = arith.constant 0 : i32
      %dma_wait3A_119 = arith.constant 0 : i32
      %dma_wait3A_120 = arith.constant 0 : i32
      %dma_wait3A_121 = tpu.memref_slice %arg9[%dma_wait3A_117, %dma_wait3A_119, %dma_wait3A_120] : memref<2x128x128xf32, #tpu.memory_space<vmem>> -> memref<1x128x128xf32, #tpu.memory_space<vmem>>
      %dma_wait3A_122 = tpu.memref_squeeze %dma_wait3A_121 : memref<1x128x128xf32, #tpu.memory_space<vmem>> -> memref<128x128xf32, #tpu.memory_space<vmem>>
      %dma_wait3A_123 = arith.constant 0 : i32
      %dma_wait3A_124 = tpu.memref_slice %arg8[%dma_wait3A_118, %add3A_116, %dma_wait3A_123] : memref<2x16x128xi32, #tpu.memory_space<vmem>> -> memref<1x1x128xi32, #tpu.memory_space<vmem>>
      %dma_wait3A_125 = tpu.memref_squeeze %dma_wait3A_124 : memref<1x1x128xi32, #tpu.memory_space<vmem>> -> memref<128xi32, #tpu.memory_space<vmem>>
      %dma_wait3A_126 = arith.constant 0 : i32
      %dma_wait3A_127 = arith.constant 0 : i32
      %dma_wait3A_128 = tpu.memref_slice %arg10[%dma_wait3A_126, %dma_wait3A_127] : memref<10240x128xf32, #tpu.memory_space<vmem_shared>> -> memref<10240x128xf32, #tpu.memory_space<vmem_shared>>
      tpu.wait_indirect_dma semaphore(%arg12 : memref<!tpu.dma_semaphore, #tpu.memory_space<semaphore_mem>>) src(%dma_wait3A_122 : memref<128x128xf32, #tpu.memory_space<vmem>>) dst(%dma_wait3A_128 : memref<10240x128xf32, #tpu.memory_space<vmem_shared>>)
      %add3A_129 = arith.constant 3 : i32
      %add3A_130 = arith.addi %mul3A_47, %add3A_129 : i32
      %lt3A_131 = arith.constant 16 : i32
      %lt3A_132 = arith.cmpi slt, %add3A_130, %lt3A_131 : i32
      %convert_element_type3A_133 = arith.extui %lt3A_132 : i1 to i32
      %cond3A_134 = arith.constant 0 : i32
      %cond3A_135 = arith.cmpi ne, %convert_element_type3A_133, %cond3A_134 : i32
      scf.if %cond3A_135 {
        %add3A_136 = arith.constant 3 : i32
        %add3A_137 = arith.addi %mul3A_47, %add3A_136 : i32
        %dma_start3A_138 = arith.constant 0 : i32
        %dma_start3A_139 = arith.constant 1 : i32
        %dma_start3A_140 = arith.constant 0 : i32
        %dma_start3A_141 = arith.constant 0 : i32
        %dma_start3A_142 = tpu.memref_slice %arg9[%dma_start3A_139, %dma_start3A_140, %dma_start3A_141] : memref<2x128x128xf32, #tpu.memory_space<vmem>> -> memref<1x128x128xf32, #tpu.memory_space<vmem>>
        %dma_start3A_143 = tpu.memref_squeeze %dma_start3A_142 : memref<1x128x128xf32, #tpu.memory_space<vmem>> -> memref<128x128xf32, #tpu.memory_space<vmem>>
        %dma_start3A_144 = arith.constant 0 : i32
        %dma_start3A_145 = tpu.memref_slice %arg7[%dma_start3A_138, %add3A_137, %dma_start3A_144] : memref<2x16x128xi32, #tpu.memory_space<vmem>> -> memref<1x1x128xi32, #tpu.memory_space<vmem>>
        %dma_start3A_146 = tpu.memref_squeeze %dma_start3A_145 : memref<1x1x128xi32, #tpu.memory_space<vmem>> -> memref<128xi32, #tpu.memory_space<vmem>>
        %dma_start3A_147 = arith.constant 0 : i32
        %dma_start3A_148 = arith.constant 0 : i32
        %dma_start3A_149 = tpu.memref_slice %arg2[%dma_start3A_147, %dma_start3A_148] : memref<10240x128xf32, #tpu.memory_space<hbm>> -> memref<10240x128xf32, #tpu.memory_space<hbm>>
        tpu.enqueue_indirect_dma source(%dma_start3A_149 : memref<10240x128xf32, #tpu.memory_space<hbm>>) target(%dma_start3A_143 : memref<128x128xf32, #tpu.memory_space<vmem>>) offsets(%dma_start3A_146 : memref<128xi32, #tpu.memory_space<vmem>>) semaphore(%arg11 : memref<!tpu.dma_semaphore, #tpu.memory_space<semaphore_mem>>)
      } else {
      }
    }
    %scan3A_39 = arith.constant 8 : i32
    %barrier3A_40 = arith.constant 0 : index
    tpu.barrier barrier_id(%barrier3A_40)
    %mul3A_41 = arith.constant 640 : i32
    %mul3A_42 = arith.muli %arg1, %mul3A_41 : i32
    %mul3A_43 = arith.constant 640 : i32
    %mul3A_44 = arith.muli %arg1, %mul3A_43 : i32
    "tpu.region"() ({
      %run_scoped3A_45 = tpu.sem_alloc : memref<!tpu.dma_semaphore, #tpu.memory_space<semaphore_mem>>
      %dma_start3A_46 = arith.constant 0 : i32
      %dma_start3A_47 = tpu.memref_slice %arg6[%arg0, %mul3A_44, %dma_start3A_46] : memref<2x10240x128xf32, #tpu.memory_space<hbm>> -> memref<1x640x128xf32, #tpu.memory_space<hbm>>
      %dma_start3A_48 = tpu.memref_squeeze %dma_start3A_47 : memref<1x640x128xf32, #tpu.memory_space<hbm>> -> memref<640x128xf32, #tpu.memory_space<hbm>>
      %dma_start3A_49 = arith.constant 0 : i32
      %dma_start3A_50 = tpu.memref_slice %arg10[%mul3A_42, %dma_start3A_49] : memref<10240x128xf32, #tpu.memory_space<vmem_shared>> -> memref<640x128xf32, #tpu.memory_space<vmem_shared>>
      tpu.enqueue_dma source(%dma_start3A_50 : memref<640x128xf32, #tpu.memory_space<vmem_shared>>) target(%dma_start3A_48 : memref<640x128xf32, #tpu.memory_space<hbm>>) target_semaphore(%run_scoped3A_45 : memref<!tpu.dma_semaphore, #tpu.memory_space<semaphore_mem>>)
      %dma_wait3A = arith.constant 0 : i32
      %dma_wait3A_51 = tpu.memref_slice %arg6[%arg0, %mul3A_44, %dma_wait3A] : memref<2x10240x128xf32, #tpu.memory_space<hbm>> -> memref<1x640x128xf32, #tpu.memory_space<hbm>>
      %dma_wait3A_52 = tpu.memref_squeeze %dma_wait3A_51 : memref<1x640x128xf32, #tpu.memory_space<hbm>> -> memref<640x128xf32, #tpu.memory_space<hbm>>
      %dma_wait3A_53 = arith.constant 0 : i32
      %dma_wait3A_54 = tpu.memref_slice %arg10[%mul3A_42, %dma_wait3A_53] : memref<10240x128xf32, #tpu.memory_space<vmem_shared>> -> memref<640x128xf32, #tpu.memory_space<vmem_shared>>
      tpu.wait_dma2 semaphore(%run_scoped3A_45 : memref<!tpu.dma_semaphore, #tpu.memory_space<semaphore_mem>>) src(%dma_wait3A_54 : memref<640x128xf32, #tpu.memory_space<vmem_shared>>) dst(%dma_wait3A_52 : memref<640x128xf32, #tpu.memory_space<hbm>>)
      tpu.yield
    }) : () -> ()
    return
  }
}

module attributes {stable_mosaic.version = 14 : i64} {
  func.func @body(%arg0: i32, %arg1: memref<512x128xf32, #tpu.memory_space<vmem>>, %arg2: memref<128x128xf32, #tpu.memory_space<vmem>>, %arg3: memref<2x512xf32, #tpu.memory_space<vmem>>, %arg4: memref<512x128xf32, #tpu.memory_space<vmem>>) attributes {dimension_semantics = [#tpu.dimension_semantics<arbitrary>], iteration_bounds = array<i64: 20>, scalar_prefetch = 0 : i64, scratch_operands = 0 : i64, tpu.core_type = #tpu.core_type<tc>, window_params = [{transform_indices = @transform_0, window_bounds = array<i64: 512, 128>}, {pipeline_mode = #tpu.pipeline_mode<synchronous>, transform_indices = @transform_1, window_bounds = array<i64: 128, 128>}, {transform_indices = @transform_2, window_bounds = array<i64: 2, 512>}, {transform_indices = @transform_3, window_bounds = array<i64: 512, 128>}]} {
    %get3A = arith.constant 0 : index
    %get3A_0 = arith.constant 0 : index
    %get3A_1 = vector.load %arg1[%get3A, %get3A_0] : memref<512x128xf32, #tpu.memory_space<vmem>>, vector<512x128xf32>
    %get3A_2 = arith.constant 0 : index
    %get3A_3 = arith.constant 0 : index
    %get3A_4 = vector.load %arg2[%get3A_2, %get3A_3] : memref<128x128xf32, #tpu.memory_space<vmem>>, vector<128x128xf32>
    %dot_general3A = arith.constant dense<0.000000e+00> : vector<512x128xf32>
    %dot_general3A_5 = tpu.matmul %get3A_1, %get3A_4, %dot_general3A {dimension_numbers = #tpu.dot_dimension_numbers<[1], [0], [0], [1], [0, 0, 1, 1], [], []>, transpose_lhs_hint = false} : vector<512x128xf32>, vector<128x128xf32>, vector<512x128xf32> -> vector<512x128xf32>
    %get3A_6 = arith.constant 0 : index
    %get3A_7 = arith.constant 0 : index
    %get3A_8 = vector.load %arg3[%get3A_6, %get3A_7] : memref<2x512xf32, #tpu.memory_space<vmem>>, vector<1x512xf32>
    %get3A_9 = vector.shape_cast %get3A_8 : vector<1x512xf32> to vector<512xf32>
    %get3A_10 = arith.constant 1 : index
    %get3A_11 = arith.constant 0 : index
    %get3A_12 = vector.load %arg3[%get3A_10, %get3A_11] : memref<2x512xf32, #tpu.memory_space<vmem>>, vector<1x512xf32>
    %get3A_13 = vector.shape_cast %get3A_12 : vector<1x512xf32> to vector<512xf32>
    %add3A = arith.addf %get3A_9, %get3A_13 : vector<512xf32>
    %add3A_14 = arith.constant 1.000000e+00 : f32
    %add3A_15 = vector.broadcast %add3A_14 : f32 to vector<512xf32>
    %add3A_16 = arith.addf %add3A, %add3A_15 : vector<512xf32>
    %gt3A = arith.constant 0.000000e+00 : f32
    %gt3A_17 = vector.broadcast %gt3A : f32 to vector<512xf32>
    %gt3A_18 = arith.cmpf ogt, %add3A_16, %gt3A_17 : vector<512xf32>
    %rsqrt3A = math.rsqrt %add3A_16 : vector<512xf32>
    %jit3A = arith.constant 0.000000e+00 : f32
    %broadcast_in_dim3A = vector.broadcast %jit3A : f32 to vector<512xf32>
    %select_n3A = arith.select %gt3A_18, %rsqrt3A, %broadcast_in_dim3A : vector<512xi1>, vector<512xf32>
    %broadcast_in_dim3A_19 = vector.shape_cast %select_n3A : vector<512xf32> to vector<512x1xf32>
    %mul3A = vector.broadcast %broadcast_in_dim3A_19 : vector<512x1xf32> to vector<512x128xf32>
    %mul3A_20 = arith.mulf %dot_general3A_5, %mul3A : vector<512x128xf32>
    %swap3A = arith.constant 0 : index
    %swap3A_21 = arith.constant 0 : index
    %swap3A_22 = vector.load %arg4[%swap3A, %swap3A_21] : memref<512x128xf32, #tpu.memory_space<vmem>>, vector<512x128xf32>
    tpu.vector_store %arg4[%swap3A, %swap3A_21], %mul3A_20 {strides = array<i32>} : memref<512x128xf32, #tpu.memory_space<vmem>>, vector<512x128xf32>,
    return
  }
  func.func @transform_0(%arg0: i32) -> (i32, i32) {
    %c0_i32 = arith.constant 0 : i32
    %c0_i32_0 = arith.constant 0 : i32
    return %arg0, %c0_i32 : i32, i32
  }
  func.func @transform_1(%arg0: i32) -> (i32, i32) {
    %c0_i32 = arith.constant 0 : i32
    %c0_i32_0 = arith.constant 0 : i32
    %c0_i32_1 = arith.constant 0 : i32
    return %c0_i32, %c0_i32_0 : i32, i32
  }
  func.func @transform_2(%arg0: i32) -> (i32, i32) {
    %c0_i32 = arith.constant 0 : i32
    %c0_i32_0 = arith.constant 0 : i32
    return %c0_i32, %arg0 : i32, i32
  }
  func.func @transform_3(%arg0: i32) -> (i32, i32) {
    %c0_i32 = arith.constant 0 : i32
    %c0_i32_0 = arith.constant 0 : i32
    return %arg0, %c0_i32 : i32, i32
  }
}

module attributes {stable_mosaic.version = 14 : i64} {
  func.func @body(%arg0: i32, %arg1: memref<2x512x128xf32, #tpu.memory_space<vmem>>, %arg2: memref<512x128xf32, #tpu.memory_space<vmem>>, %arg3: memref<2x512xf32, #tpu.memory_space<vmem>>, %arg4: memref<1x128xf32, #tpu.memory_space<vmem>>, %arg5: memref<128x64xf32, #tpu.memory_space<vmem>>, %arg6: memref<1x64xf32, #tpu.memory_space<vmem>>, %arg7: memref<512x64xf32, #tpu.memory_space<vmem>>) attributes {dimension_semantics = [#tpu.dimension_semantics<arbitrary>], iteration_bounds = array<i64: 20>, scalar_prefetch = 0 : i64, scratch_operands = 0 : i64, tpu.core_type = #tpu.core_type<tc>, window_params = [{transform_indices = @transform_0, window_bounds = array<i64: 2, 512, 128>}, {transform_indices = @transform_1, window_bounds = array<i64: 512, 128>}, {transform_indices = @transform_2, window_bounds = array<i64: 2, 512>}, {pipeline_mode = #tpu.pipeline_mode<synchronous>, transform_indices = @transform_3, window_bounds = array<i64: 1, 128>}, {pipeline_mode = #tpu.pipeline_mode<synchronous>, transform_indices = @transform_4, window_bounds = array<i64: 128, 64>}, {pipeline_mode = #tpu.pipeline_mode<synchronous>, transform_indices = @transform_5, window_bounds = array<i64: 1, 64>}, {transform_indices = @transform_6, window_bounds = array<i64: 512, 64>}]} {
    %get3A = arith.constant 0 : index
    %get3A_0 = arith.constant 0 : index
    %get3A_1 = vector.load %arg3[%get3A, %get3A_0] : memref<2x512xf32, #tpu.memory_space<vmem>>, vector<1x512xf32>
    %get3A_2 = vector.shape_cast %get3A_1 : vector<1x512xf32> to vector<512xf32>
    %get3A_3 = arith.constant 1 : index
    %get3A_4 = arith.constant 0 : index
    %get3A_5 = vector.load %arg3[%get3A_3, %get3A_4] : memref<2x512xf32, #tpu.memory_space<vmem>>, vector<1x512xf32>
    %get3A_6 = vector.shape_cast %get3A_5 : vector<1x512xf32> to vector<512xf32>
    %add3A = arith.addf %get3A_2, %get3A_6 : vector<512xf32>
    %add3A_7 = arith.constant 1.000000e+00 : f32
    %add3A_8 = vector.broadcast %add3A_7 : f32 to vector<512xf32>
    %add3A_9 = arith.addf %add3A, %add3A_8 : vector<512xf32>
    %gt3A = arith.constant 0.000000e+00 : f32
    %gt3A_10 = vector.broadcast %gt3A : f32 to vector<512xf32>
    %gt3A_11 = arith.cmpf ogt, %add3A_9, %gt3A_10 : vector<512xf32>
    %rsqrt3A = math.rsqrt %add3A_9 : vector<512xf32>
    %jit3A = arith.constant 0.000000e+00 : f32
    %broadcast_in_dim3A = vector.broadcast %jit3A : f32 to vector<512xf32>
    %select_n3A = arith.select %gt3A_11, %rsqrt3A, %broadcast_in_dim3A : vector<512xi1>, vector<512xf32>
    %get3A_12 = arith.constant 0 : index
    %get3A_13 = arith.constant 0 : index
    %get3A_14 = arith.constant 0 : index
    %get3A_15 = vector.load %arg1[%get3A_12, %get3A_13, %get3A_14] : memref<2x512x128xf32, #tpu.memory_space<vmem>>, vector<1x512x128xf32>
    %get3A_16 = vector.shape_cast %get3A_15 : vector<1x512x128xf32> to vector<512x128xf32>
    %get3A_17 = arith.constant 1 : index
    %get3A_18 = arith.constant 0 : index
    %get3A_19 = arith.constant 0 : index
    %get3A_20 = vector.load %arg1[%get3A_17, %get3A_18, %get3A_19] : memref<2x512x128xf32, #tpu.memory_space<vmem>>, vector<1x512x128xf32>
    %get3A_21 = vector.shape_cast %get3A_20 : vector<1x512x128xf32> to vector<512x128xf32>
    %add3A_22 = arith.addf %get3A_16, %get3A_21 : vector<512x128xf32>
    %get3A_23 = arith.constant 0 : index
    %get3A_24 = arith.constant 0 : index
    %get3A_25 = vector.load %arg2[%get3A_23, %get3A_24] : memref<512x128xf32, #tpu.memory_space<vmem>>, vector<512x128xf32>
    %add3A_26 = arith.addf %add3A_22, %get3A_25 : vector<512x128xf32>
    %broadcast_in_dim3A_27 = vector.shape_cast %select_n3A : vector<512xf32> to vector<512x1xf32>
    %mul3A = vector.broadcast %broadcast_in_dim3A_27 : vector<512x1xf32> to vector<512x128xf32>
    %mul3A_28 = arith.mulf %add3A_26, %mul3A : vector<512x128xf32>
    %get3A_29 = arith.constant 0 : index
    %get3A_30 = arith.constant 0 : index
    %get3A_31 = vector.load %arg4[%get3A_29, %get3A_30] : memref<1x128xf32, #tpu.memory_space<vmem>>, vector<1x128xf32>
    %get3A_32 = vector.shape_cast %get3A_31 : vector<1x128xf32> to vector<128xf32>
    %broadcast_in_dim3A_33 = vector.shape_cast %get3A_32 : vector<128xf32> to vector<1x128xf32>
    %add3A_34 = vector.broadcast %broadcast_in_dim3A_33 : vector<1x128xf32> to vector<512x128xf32>
    %add3A_35 = arith.addf %mul3A_28, %add3A_34 : vector<512x128xf32>
    %max3A = arith.constant 0.000000e+00 : f32
    %max3A_36 = vector.broadcast %max3A : f32 to vector<512x128xf32>
    %max3A_37 = arith.maximumf %add3A_35, %max3A_36 : vector<512x128xf32>
    %get3A_38 = arith.constant 0 : index
    %get3A_39 = arith.constant 0 : index
    %get3A_40 = vector.load %arg5[%get3A_38, %get3A_39] : memref<128x64xf32, #tpu.memory_space<vmem>>, vector<128x64xf32>
    %dot_general3A = arith.constant dense<0.000000e+00> : vector<512x64xf32>
    %dot_general3A_41 = tpu.matmul %max3A_37, %get3A_40, %dot_general3A {dimension_numbers = #tpu.dot_dimension_numbers<[1], [0], [0], [1], [0, 0, 1, 1], [], []>, transpose_lhs_hint = false} : vector<512x128xf32>, vector<128x64xf32>, vector<512x64xf32> -> vector<512x64xf32>
    %get3A_42 = arith.constant 0 : index
    %get3A_43 = arith.constant 0 : index
    %get3A_44 = vector.load %arg6[%get3A_42, %get3A_43] : memref<1x64xf32, #tpu.memory_space<vmem>>, vector<1x64xf32>
    %get3A_45 = vector.shape_cast %get3A_44 : vector<1x64xf32> to vector<64xf32>
    %broadcast_in_dim3A_46 = vector.shape_cast %get3A_45 : vector<64xf32> to vector<1x64xf32>
    %add3A_47 = vector.broadcast %broadcast_in_dim3A_46 : vector<1x64xf32> to vector<512x64xf32>
    %add3A_48 = arith.addf %dot_general3A_41, %add3A_47 : vector<512x64xf32>
    %reduce_max3A = arith.constant dense<0xFF800000> : vector<512xf32>
    %reduce_max3A_49 = vector.multi_reduction <maximumf>, %add3A_48, %reduce_max3A [1] : vector<512x64xf32> to vector<512xf32>
    %broadcast_in_dim3A_50 = vector.shape_cast %reduce_max3A_49 : vector<512xf32> to vector<512x1xf32>
    %sub3A = vector.broadcast %broadcast_in_dim3A_50 : vector<512x1xf32> to vector<512x64xf32>
    %sub3A_51 = arith.subf %add3A_48, %sub3A : vector<512x64xf32>
    %exp3A = math.exp %sub3A_51 : vector<512x64xf32>
    %reduce_sum3A = arith.constant dense<0.000000e+00> : vector<512xf32>
    %reduce_sum3A_52 = vector.multi_reduction <add>, %exp3A, %reduce_sum3A [1] : vector<512x64xf32> to vector<512xf32>
    %broadcast_in_dim3A_53 = vector.shape_cast %reduce_sum3A_52 : vector<512xf32> to vector<512x1xf32>
    %log3A = math.log %broadcast_in_dim3A_53 : vector<512x1xf32>
    %sub3A_54 = vector.broadcast %log3A : vector<512x1xf32> to vector<512x64xf32>
    %sub3A_55 = arith.subf %sub3A_51, %sub3A_54 : vector<512x64xf32>
    %swap3A = arith.constant 0 : index
    %swap3A_56 = arith.constant 0 : index
    %swap3A_57 = vector.load %arg7[%swap3A, %swap3A_56] : memref<512x64xf32, #tpu.memory_space<vmem>>, vector<512x64xf32>
    tpu.vector_store %arg7[%swap3A, %swap3A_56], %sub3A_55 {strides = array<i32>} : memref<512x64xf32, #tpu.memory_space<vmem>>, vector<512x64xf32>,
    return
  }
  func.func @transform_0(%arg0: i32) -> (i32, i32, i32) {
    %c0_i32 = arith.constant 0 : i32
    %c0_i32_0 = arith.constant 0 : i32
    %c0_i32_1 = arith.constant 0 : i32
    return %c0_i32, %arg0, %c0_i32_0 : i32, i32, i32
  }
  func.func @transform_1(%arg0: i32) -> (i32, i32) {
    %c0_i32 = arith.constant 0 : i32
    %c0_i32_0 = arith.constant 0 : i32
    return %arg0, %c0_i32 : i32, i32
  }
  func.func @transform_2(%arg0: i32) -> (i32, i32) {
    %c0_i32 = arith.constant 0 : i32
    %c0_i32_0 = arith.constant 0 : i32
    return %c0_i32, %arg0 : i32, i32
  }
  func.func @transform_3(%arg0: i32) -> (i32, i32) {
    %c0_i32 = arith.constant 0 : i32
    %c0_i32_0 = arith.constant 0 : i32
    %c0_i32_1 = arith.constant 0 : i32
    return %c0_i32, %c0_i32_0 : i32, i32
  }
  func.func @transform_4(%arg0: i32) -> (i32, i32) {
    %c0_i32 = arith.constant 0 : i32
    %c0_i32_0 = arith.constant 0 : i32
    %c0_i32_1 = arith.constant 0 : i32
    return %c0_i32, %c0_i32_0 : i32, i32
  }
  func.func @transform_5(%arg0: i32) -> (i32, i32) {
    %c0_i32 = arith.constant 0 : i32
    %c0_i32_0 = arith.constant 0 : i32
    %c0_i32_1 = arith.constant 0 : i32
    return %c0_i32, %c0_i32_0 : i32, i32
  }
  func.func @transform_6(%arg0: i32) -> (i32, i32) {
    %c0_i32 = arith.constant 0 : i32
    %c0_i32_0 = arith.constant 0 : i32
    return %arg0, %c0_i32 : i32, i32
  }
}

</mosaic_0001>

<sc_bundles>
// kernel: kernel.6.cloned.1.call-start
scs
__scs_entry_jumppad:
0x0: {  	(pc) =	sbr.rel $0x88, $3  }
0x1: {  	(tag) =	ssettag $0x0;
	lr =	simm.s32 $0x1  }
0x2: {  	[smem:$0x3F9B] =	sst lr;
	_ =	strace $0xD0000000  }
0x3: {  	_ = 	snop  }
0x4: {  	_ = 	snop  }
0x5: {  	_ = 	snop  }
0x6: {  	_ = 	snop  }
0x7: {  	_ = 	snop  }
__scs_overlays_trampoline_lowered:
0x8: {  	[smem:$0x3FAA] =	sst s0  }
0x9: {  	[smem:$0x3FAB] =	sst s1  }
0xa: {  	[smem:$0x3FAC] =	sst s2  }
0xb: {  	[smem:$0x3FAD] =	sst s3  }
0xc: {  	[smem:$0x3FAE] =	sst s4  }
0xd: {  	[smem:$0x3FAF] =	sst s5  }
0xe: {  	[smem:$0x3FB0] =	sst s6  }
0xf: {  	[smem:$0x3FB1] =	sst s7  }
0x10: {  	[smem:$0x3FB2] =	sst s8  }
0x11: {  	[smem:$0x3FB3] =	sst s9;
	s0 =	simm.s32 @!p0 $0x0  }
0x12: {  	s1 =	sld [smem:$0x3F99];
	s0 =	simm.s32 @p0 $0x1  }
0x13: {  	[smem:$0x3FB4] =	sst s0;
	s0 =	simm.s32 @!p1 $0x0  }
0x14: {  	s2 =	sld [smem:$0x3F98];
	s0 =	simm.s32 @p1 $0x1  }
0x15: {  	[smem:$0x3FB5] =	sst s0;
	s0 =	simm.s32 @!p2 $0x0  }
0x16: {  	s3 =	sld [smem:$0x3FDB];
	s0 =	simm.s32 @p2 $0x1  }
0x17: {  	s4 =	simm.s32 $0x1BF5;
	[smem:$0x3FB7] =	sst s0  }
0x18: {  	s0 =	sld [smem:$0x3F9A];
	_ =	swait.ge [sflag:s4], $0x0  }
0x19: {  	s7 =	sld [smem:$0x3F9B]  }
0x1a: {  	s8 =	sadd.s32 $0xFFFFE003, lr  }
0x1b: {  	s9 =	sadd.s32 $0xFFFFFEF7, lr;
	s5 =	simm.s32 $0xFFFFFFFF;
	p2 =	slt.u32 s8, $0xFFFFF086  }
0x1c: {  	p1 =	slt.u32 s9, $0xF7A;
	s5 =	simm.s32 @!p2 $0x0  }
0x1d: {  	s5 =	simm.s32 @p1 $0x1;
	p0 =	seq.s32 s7, s2  }
0x1e: {  	s7 =	smul.u32 @!p0 $0xF7A, s2;
	p2 =	seq.s32 @!p0 s5, $0x0  }
0x1f: {  	s9 =	smul.u32 $0xF7A, s1;
	s8 =	simm.s32 @!p0 $0x1BF5;
	p2 =	por !p2, p0  }
0x20: {  	[sflag:s8] =	ssyncset.s32 @!p0 $0xFFFFF086;
	s6 =	sadd.s32 @!p0 s3, s7;
	s7 =	simm.s32 @!p0 $0x108  }
0x21: {  	s3 =	sadd.s32 s3, s9;
	s6 =	sadd.s32 @!p0 $0x88, s6;
	s7 =	simm.s32 @p2 $0x1082  }
0x22: {  	[simem:s7], [sflag:s8] =	dma.local @!p0 [hbm:s6], $0xF7A  }
0x23: {  	s9 =	sor.u32 $0xD0000000, s2;
	s6 =	simm.s32 $0x108;
	_ =	swait.ge @!p0 [sflag:s8], $0x0  }
0x24: {  	s3 =	sadd.s32 $0x88, s3;
	s6 =	simm.s32 @!p1 $0x1082;
	[sflag:s4] =	ssyncset.s32 $0xFFFFF086  }
0x25: {  	[simem:s6], [sflag:s4] =	dma.local [hbm:s3], $0xF7A  }
0x26: {  	[smem:$0x3F9B] =	sst s1;
	(tag) =	ssettag s2;
	_ =	strace s9  }
0x27: {  	s1 =	sld [smem:$0x3FAB]  }
0x28: {  	s2 =	sld [smem:$0x3FAC]  }
0x29: {  	s4 =	sld [smem:$0x3FAE]  }
0x2a: {  	p0 =	seq.s32 s5, $0x0;
	s5 =	sld [smem:$0x3FAF]  }
0x2b: {  	s6 =	sld [smem:$0x3FB0]  }
0x2c: {  	s7 =	sld [smem:$0x3FB1]  }
0x2d: {  	s3 =	simm.s32 $0x108;
	s8 =	sld [smem:$0x3FB2]  }
0x2e: {  	s3 =	simm.s32 @!p0 $0x1082;
	s9 =	sld [smem:$0x3FB3]  }
0x2f: {  	lr =	sadd.s32 s0, s3;
	s0 =	sld [smem:$0x3FAA]  }
0x30: {  	s3 =	sld [smem:$0x3FAD]  }
0x31: {  	[smem:$0x3FB6] =	sst s10  }
0x32: {  	s10 =	sld [smem:$0x3FB4];
	_ =	sdelay $0x3  }
0x33: {  	p0 =	seq.s32 s10, $0x1;
	s10 =	sld [smem:$0x3FB6];
	_ =	sdelay $0x3  }
0x34: {  	[smem:$0x3FB6] =	sst s10  }
0x35: {  	s10 =	sld [smem:$0x3FB5];
	_ =	sdelay $0x3  }
0x36: {  	p1 =	seq.s32 s10, $0x1;
	s10 =	sld [smem:$0x3FB6];
	_ =	sdelay $0x3  }
0x37: {  	[smem:$0x3FB6] =	sst s10  }
0x38: {  	s10 =	sld [smem:$0x3FB7]  }
0x39: {  	_ = 	snop;
	(pc) =	sbr.ind lr, $3  }
0x3a: {  	_ = 	snop  }
0x3b: {  	_ = 	snop  }
0x3c: {  	p2 =	seq.s32 s10, $0x1;
	s10 =	sld [smem:$0x3FB6]  }
0x3d: {  	_ =	shalt  }
0x3e: {  	_ =	shalt  }
0x3f: {  	_ =	shalt  }
0x40: {  	_ =	shalt  }
0x41: {  	_ =	shalt  }
0x42: {  	_ =	shalt  }
0x43: {  	_ =	shalt  }
0x44: {  	_ =	shalt  }
0x45: {  	_ =	shalt  }
0x46: {  	_ =	shalt  }
0x47: {  	_ =	shalt  }
0x48: {  	_ =	shalt  }
0x49: {  	_ =	shalt  }
0x4a: {  	_ =	shalt  }
0x4b: {  	_ =	shalt  }
0x4c: {  	_ =	shalt  }
0x4d: {  	_ =	shalt  }
0x4e: {  	_ =	shalt  }
0x4f: {  	_ =	shalt  }
0x50: {  	_ =	shalt  }
0x51: {  	_ =	shalt  }
0x52: {  	_ =	shalt  }
0x53: {  	_ =	shalt  }
0x54: {  	_ =	shalt  }
0x55: {  	_ =	shalt  }
0x56: {  	_ =	shalt  }
0x57: {  	_ =	shalt  }
0x58: {  	_ =	shalt  }
0x59: {  	_ =	shalt  }
0x5a: {  	_ =	shalt  }
0x5b: {  	_ =	shalt  }
0x5c: {  	_ =	shalt  }
0x5d: {  	_ =	shalt  }
0x5e: {  	_ =	shalt  }
0x5f: {  	_ =	shalt  }
0x60: {  	_ =	shalt  }
0x61: {  	_ =	shalt  }
0x62: {  	_ =	shalt  }
0x63: {  	_ =	shalt  }
0x64: {  	_ =	shalt  }
0x65: {  	_ =	shalt  }
0x66: {  	_ =	shalt  }
0x67: {  	_ =	shalt  }
0x68: {  	_ =	shalt  }
0x69: {  	_ =	shalt  }
0x6a: {  	_ =	shalt  }
0x6b: {  	_ =	shalt  }
0x6c: {  	_ =	shalt  }
0x6d: {  	_ =	shalt  }
0x6e: {  	_ =	shalt  }
0x6f: {  	_ =	shalt  }
0x70: {  	_ =	shalt  }
0x71: {  	_ =	shalt  }
0x72: {  	_ =	shalt  }
0x73: {  	_ =	shalt  }
0x74: {  	_ =	shalt  }
0x75: {  	_ =	shalt  }
0x76: {  	_ =	shalt  }
0x77: {  	_ =	shalt  }
0x78: {  	_ =	shalt  }
0x79: {  	_ =	shalt  }
0x7a: {  	_ =	shalt  }
0x7b: {  	_ =	shalt  }
0x7c: {  	_ =	shalt  }
0x7d: {  	_ =	shalt  }
0x7e: {  	_ =	shalt  }
0x7f: {  	_ =	shalt  }
0x80: {  	_ =	shalt  }
0x81: {  	_ =	shalt  }
0x82: {  	_ =	shalt  }
0x83: {  	_ =	shalt  }
0x84: {  	_ =	shalt  }
0x85: {  	_ =	shalt  }
0x86: {  	_ =	shalt  }
0x87: {  	_ =	shalt  }
.Lfunc_end0:
.L_simem_size_0:
called_computation_lowered:
.L_overlay_start_0:
0x88: {  	s2 =	sld [smem:$0x3FD9]  }
0x89: {  	s3 =	sld [smem:$0x3FFE];
	_ =	sdelay $0x1  }
0x8a: {  	s1 =	srdreg.scid  }
0x8b: {  	s0 =	sand.u32 $0x1, s1  }
0x8c: {  	s17 =	sshll.u32 s0, $0xA;
	s2 =	sadd.s32 s3, s2  }
0x8d: {  	s2 =	sadd.s32 s2, s17  }
0x8e: {  	[smem:$0x3FC2] =	sst s2  }
0x8f: {  	_ = 	snop  }
0x90: {  	s2 =	sld [smem:$0x3FD0];
	(tm) =	ssettm $0x1  }
0x91: {  	s18 =	sld [smem:$0x3FFB];
	_ =	sdelay $0x3  }
0x92: {  	_ =	strace s18  }
0x93: {  	s3 =	sld [smem:$0x3FFC];
	_ =	sdelay $0x3  }
0x94: {  	_ =	strace s3  }
0x95: {  	s3 =	sld [smem:$0x3FFD];
	_ =	sdelay $0x3  }
0x96: {  	_ =	strace s3  }
0x97: {  	_ =	strace $0x8FFFFFFF  }
0x98: {  	s19 =	sld [smem:$0x3FDB];
	_ =	sdelay $0x1  }
0x99: {  	s4 =	simm.s32 $_scs_section_size  }
0x9a: {  	s5 =	simm.s32 $_size__tile_overlayer_lowered;
	s6 =	simm.s32 $_tile_overlayer_lowered  }
0x9b: {  	s22 =	simm.s32 $0x1BFF;
	s21 =	sshll.u32 s6, $0x1;
	s3 =	sadd.s32 s4, s19  }
0x9c: {  	s7 =	simm.s32 $0x0;
	s20 =	sshll.u32 s5, $0x1;
	s5 =	sadd.s32 s21, s3  }
0x9d: {  	[timem:s7], [sflag:s22] =	dma.local [hbm:s5], s20  }
0x9e: {  	_ =	swait.ge [sflag:s22], s20  }
0x9f: {  	s4 =	ssub.s32 $0x0, s20;
	[sflag:s22] =	ssyncset.done $0x0  }
0xa0: {  	[sflag:s22] =	ssyncadd.s32 s4;
	_ =	sdelay $0x1  }
0xa1: {  	s23 =	simm.s32 $0x1B8B  }
0xa2: {  	_ =	swait.ge [sflag:s23], $0x1  }
0xa3: {  	[sflag:s23] =	ssyncset.done $0x0  }
0xa4: {  	s25 =	simm.s32 $0x1B8E;
	s24 =	sld [smem:$0x3FFE];
	[sflag:s23] =	ssyncadd.s32 $0xFFFFFFFF  }
0xa5: {  	s26 =	simm.s32 $execute0_lowered;
	[smem:$0x3FD2] =	sst s25  }
0xa6: {  	s5 =	sshll.u32 s26, $0x1;
	_ =	strace $0x80000046;
	[dreg:$0x1] =	wrdreg $0xFFFFFFFF  }
0xa7: {  	s28 =	simm.s32 $_size_execute0_lowered;
	s3 =	sadd.s32 s3, s5;
	[dreg:$0x0] =	wrdreg $0x0  }
0xa8: {  	s5 =	sshll.u32 s28, $0x1;
	[dreg:$0x2] =	wrdreg s3  }
0xa9: {  	[dreg:$0x3] =	wrdreg s5  }
0xaa: {  	[dreg:$0x4] =	wrdreg $0xC0  }
0xab: {  	_ =	task [dreg:s7], $0x5FFFF  }
0xac: {  	[dreg:$0x1] =	wrdreg $0xFFFFFFFF  }
0xad: {  	[dreg:$0x0] =	wrdreg $0x60  }
0xae: {  	[dreg:$0x2] =	wrdreg s2  }
0xaf: {  	[dreg:$0x3] =	wrdreg s24  }
0xb0: {  	[dreg:$0x4] =	wrdreg $0x2B000  }
0xb1: {  	[dreg:$0x5] =	wrdreg $0x9  }
0xb2: {  	_ =	task.clear_ibuf [dreg:s7], $0x6FFFF;
	_ =	strace $0x90000046  }
0xb3: {  	s29 =	simm.s32 $0x9;
	_ =	strace $0x80000048  }
0xb4: {  	_ =	swait.ge [sflag:s29], $0x1  }
0xb5: {  	[sflag:s29] =	ssyncadd.s32 $0xFFFFFFFF  }
0xb6: {  	_ =	strace $0x90000048  }
0xb7: {  	_ =	sfence  }
0xb8: {  	s30 =	sld [smem:$0x0];
	_ =	sdelay $0x2  }
0xb9: {  	s31 =	sshll.u32 s1, $0xD;
	s1 =	sshrl.u32 s1, $0x2  }
0xba: {  	s3 =	sand.u32 $0x4000, s31;
	s1 =	sadd.s32 s1, s30  }
0xbb: {  	s0 =	sor.u32 s3, s0;
	s1 =	sshll.u32 s1, $0x11  }
0xbc: {  	s0 =	sor.u32 s1, s0  }
0xbd: {  	s0 =	sadd.s32 $0x8F2B, s0  }
0xbe: {  	[sflag:s0] =	ssyncadd.remote.s32 $0x1  }
0xbf: {  	_ =	sfence.sel $0xFFFF  }
0xc0: {  	[dreg:$0x0] =	wrdreg $0xFFFFFFFF;
	(pc) =	sbr.abs _section_cstart, $3  }
0xc1: {  	[dreg:$0x1] =	wrdreg $0xFFFFFFFF  }
0xc2: {  	_ =	task.clear_ibuf [dreg:s7], $0x2FFFF;
	_ =	strace $0x9FFFFFFF  }
0xc3: {  	(tm) =	ssettm $0x7FFFFFFF  }
tec
execute0_lowered:
.L_overlay_start_1:
0x0: {  	(tag) =	ssettag $0x1  }
0x1: {  	s4 =	rddreg [dreg:$0x0]  }
0x2: {  	s5 =	rddreg [dreg:$0x1]  }
0x3: {  	s2 =	rddreg [dreg:$0x2];
	s3 =	srdreg.scid  }
0x4: {  	s1 =	stileid.u32;
	s0 =	rddreg [dreg:$0x3];
	s11 =	simm.s32 $0x2800  }
0x5: {  	s12 =	simm.s32 $0x1;
	s15 =	simm.s32 $0x0;
	s6 =	sand.u32 $0x1, s3  }
0x6: {  	s7 =	smul.u32 $0x280, s1;
	s3 =	simm.s32 $0x0;
	s9 =	sshll.u32 s1, $0x1  }
0x7: {  	s13 =	sshll.u32 s1, $0x6;
	s8 =	smul.u32 $0x2800, s6;
	[smem:$0x7FF] =	sst s3  }
0x8: {  	s9 =	sor.u32 s6, s9;
	s6 =	ssub.s32 $0x2, s6;
	s13 =	sor.u32 $0x1C02, s13  }
0x9: {  	s9 =	smul.u32 $0x500, s9;
	s10 =	sshrl.u32 s6, $0x1;
	s8 =	sadd.s32 s7, s8  }
0xa: {  	_ =	strace $0x80000047;
	s10 =	ssub.s32 s6, s10;
	s8 =	sshrl.u32 s8, $0x3  }
0xb: {  	s4 =	sadd.s32 s4, s9;
	s9 =	simm.s32 $0x2880;
	s8 =	sadd.s32 s8, s5  }
0xc: {  	s5 =	sadd.s32 s7, s2;
	s7 =	smax.u32 s10, $0x1;
	s10 =	simm.s32 $0x80  }
0xd: {  	v0 =	vimm.f32 $1.000000000e+00;
	v1 =	vimm.f32 $0.0e+00;
	s6 =	sadd.s32 $0xBE00, s8;
	s8 =	simm.s32 $0x2;
	s14 =	sshrl.u32 s5, $0x3  }
.LBB2_1:
0xe: {  	[tilespmem:s3], [sflag:$0x2] =	stream.linear.gather [hbm4b:s4+s3], $0x2800, $0x38;
	[tilespmem:$0x2D80] =	vst v63  }
0xf: {  	_ =	swait.ge [sflag:s8], $0x2800  }
0x10: {  	[sflag:s8] =	ssyncset.done $0x0  }
0x11: {  	[sflag:s8] =	ssyncadd.s32 $0xFFFFD800  }
0x12: {  	[tilespmem:$0x2800] =	vst v0  }
0x13: {  	[tilespmem:$0x2810] =	vst v0  }
0x14: {  	[tilespmem:$0x2820] =	vst v0  }
0x15: {  	[tilespmem:$0x2830] =	vst v0  }
0x16: {  	[tilespmem:$0x2840] =	vst v0  }
0x17: {  	[tilespmem:$0x2850] =	vst v0  }
0x18: {  	[tilespmem:$0x2860] =	vst v0  }
0x19: {  	[tilespmem:$0x2870] =	vst v0  }
0x1a: {  	[tilespmem:$0x2880] =	vst v1  }
0x1b: {  	[tilespmem:$0x2890] =	vst v1  }
0x1c: {  	[tilespmem:$0x28A0] =	vst v1  }
0x1d: {  	[tilespmem:$0x28B0] =	vst v1  }
0x1e: {  	[tilespmem:$0x28C0] =	vst v1  }
0x1f: {  	[tilespmem:$0x28D0] =	vst v1  }
0x20: {  	[tilespmem:$0x28E0] =	vst v1  }
0x21: {  	[tilespmem:$0x28F0] =	vst v1  }
0x22: {  	[tilespmem:$0x2900] =	vst v1  }
0x23: {  	[tilespmem:$0x2910] =	vst v1  }
0x24: {  	[tilespmem:$0x2920] =	vst v1  }
0x25: {  	[tilespmem:$0x2930] =	vst v1  }
0x26: {  	[tilespmem:$0x2940] =	vst v1  }
0x27: {  	[tilespmem:$0x2950] =	vst v1  }
0x28: {  	[tilespmem:$0x2960] =	vst v1  }
0x29: {  	[tilespmem:$0x2970] =	vst v1  }
0x2a: {  	[tilespmem:$0x2980] =	vst v1  }
0x2b: {  	[tilespmem:$0x2990] =	vst v1  }
0x2c: {  	[tilespmem:$0x29A0] =	vst v1  }
0x2d: {  	[tilespmem:$0x29B0] =	vst v1  }
0x2e: {  	[tilespmem:$0x29C0] =	vst v1  }
0x2f: {  	[tilespmem:$0x29D0] =	vst v1  }
0x30: {  	[tilespmem:$0x29E0] =	vst v1  }
0x31: {  	[tilespmem:$0x29F0] =	vst v1  }
0x32: {  	[tilespmem:$0x2A00] =	vst v1  }
0x33: {  	[tilespmem:$0x2A10] =	vst v1  }
0x34: {  	[tilespmem:$0x2A20] =	vst v1  }
0x35: {  	[tilespmem:$0x2A30] =	vst v1  }
0x36: {  	[tilespmem:$0x2A40] =	vst v1  }
0x37: {  	[tilespmem:$0x2A50] =	vst v1  }
0x38: {  	[tilespmem:$0x2A60] =	vst v1  }
0x39: {  	[tilespmem:$0x2A70] =	vst v1  }
0x3a: {  	[tilespmem:$0x2A80] =	vst v1  }
0x3b: {  	[tilespmem:$0x2A90] =	vst v1  }
0x3c: {  	[tilespmem:$0x2AA0] =	vst v1  }
0x3d: {  	[tilespmem:$0x2AB0] =	vst v1  }
0x3e: {  	[tilespmem:$0x2AC0] =	vst v1  }
0x3f: {  	[tilespmem:$0x2AD0] =	vst v1  }
0x40: {  	[tilespmem:$0x2AE0] =	vst v1  }
0x41: {  	[tilespmem:$0x2AF0] =	vst v1  }
0x42: {  	[spmem:s5] =	stream.linear.scatter [tilespmem:s9], [sflag:$0x2], $0x280, $0x38;
	[tilespmem:$0x2D80] =	vst v63  }
0x43: {  	_ =	swait.ge [sflag:s8], $0x280  }
0x44: {  	[sflag:s8] =	ssyncset.done $0x0  }
0x45: {  	[sflag:s8] =	ssyncadd.s32 $0xFFFFFD80  }
0x46: {  	s16 =	simm.s32 $0x0;
	[bflag:$0x0] =	sbarrier.arrive $0xFFFF  }
.LBB2_2:
0x47: {  	p0 =	sne.s32 s16, $0x9E00  }
.Ltmp0:
0x48: {  	_ = 	snop;
	(pc) =	sbr.rel @p0 .LBB2_2-.Ltmp0, $3  }
0x49: {  	_ =	sdelay $0x1  }
0x4a: {  	s17 =	sshra.s32 s16, $0x2;
	s16 =	sadd.s32 $0x200, s16  }
0x4b: {  	[spmem:s2] =	stream.indirect.scatter.add.f32 [tilespmem:s11], [sflag:$0x1], $0x1, s17, s10, $0xb8;
	[tilespmem:$0x2D80] =	vst v63  }
0x4c: {  	_ =	swait.ge [sflag:s12], $0x80  }
0x4d: {  	s16 =	simm.s32 $0x4F;
	[sflag:s12] =	ssyncset.done $0x0  }
.LBB2_4:
0x4e: {  	p0 =	sne.s32 s16, $0x1;
	s16 =	sadd.s32 $0xFFFFFFFF, s16;
	[sflag:s12] =	ssyncadd.s32 $0xFFFFFF80  }
.Ltmp1:
0x4f: {  	(pc) =	sbr.rel @p0 .LBB2_4-.Ltmp1, $3  }
0x50: {  	_ =	sdelay $0x1  }
0x51: {  	_ =	swait.ge [sflag:s12], $0x80  }
0x52: {  	[sflag:s12] =	ssyncset.done $0x0  }
0x53: {  	s15 =	sadd.s32 $0x1, s15  }
0x54: {  	[sflag:s12] =	ssyncadd.s32 $0xFFFFFF80;
	p0 =	sne.s32 s15, s7  }
.Ltmp2:
0x55: {  	[bflag:$0x0] =	sbarrier.arrive $0xFFFF;
	(pc) =	sbr.rel @p0 .LBB2_1-.Ltmp2, $4  }
0x56: {  	[hbm:s6], [sflag:s13] =	dma.local [spmem:s14], $0x50  }
0x57: {  	_ =	swait.ge [sflag:s8], $0x50  }
0x58: {  	[sflag:s8] =	ssyncset.done $0x0  }
0x59: {  	[sflag:s8] =	ssyncadd.s32 $0xFFFFFFB0  }
0x5a: {  	_ =	sfence.sel $0x180000  }
0x5b: {  	[bflag:$0x0] =	sbarrier.arrive $0xFFFF  }
0x5c: {  	p0 =	sne.s32 s1, $0x0;
	_ =	strace $0x90000047  }
0x5d: {  	s0 =	sadd.s32 @!p0 $0x100000, s0;
	[bflag:$0x2] =	sbarrier.arrive $0xFFFF  }
0x5e: {  	[sflag:s0] =	ssyncadd.tile.s32 @!p0 $0x1;
	_ =	shalt  }
.Lfunc_end2:
_tile_overlayer_lowered:
.L_overlay_start_2:
0x5f: {  	(tag) =	ssettag $0x2  }
0x60: {  	s0 =	rddreg [dreg:$0x0];
	s2 =	stileid.u32  }
0x61: {  	s1 =	rddreg [dreg:$0x1];
	p0 =	sne.s32 s2, $0x0  }
0x62: {  	s3 =	rddreg [dreg:$0x2];
	[bflag:$0x3] =	sbarrier.arrive $0xFFFF;
	s2 =	simm.s32 @!p0 $0x1C02  }
0x63: {  	[timem:s3], [sflag:s2] =	dma.local @!p0 [hbm:s0], s1  }
0x64: {  	s0 =	simm.s32 @!p0 $0x2  }
0x65: {  	_ =	swait.ge @!p0 [sflag:s0], s1  }
0x66: {  	s1 =	ssub.s32 @!p0 $0x0, s1;
	[sflag:s0] =	ssyncset.done @!p0 $0x0  }
0x67: {  	[sflag:s0] =	ssyncadd.s32 @!p0 s1  }
0x68: {  	[bflag:$0x3] =	sbarrier.arrive $0xFFFF  }
0x69: {  	_ =	shalt  }

// kernel: kernel.9.cloned.1.call-start
scs
__scs_entry_jumppad:
0x0: {  	(pc) =	sbr.rel $0x88, $3  }
0x1: {  	(tag) =	ssettag $0x0;
	lr =	simm.s32 $0x1  }
0x2: {  	[smem:$0x3F9B] =	sst lr;
	_ =	strace $0xD0000000  }
0x3: {  	_ = 	snop  }
0x4: {  	_ = 	snop  }
0x5: {  	_ = 	snop  }
0x6: {  	_ = 	snop  }
0x7: {  	_ = 	snop  }
__scs_overlays_trampoline_lowered:
0x8: {  	[smem:$0x3FAA] =	sst s0  }
0x9: {  	[smem:$0x3FAB] =	sst s1  }
0xa: {  	[smem:$0x3FAC] =	sst s2  }
0xb: {  	[smem:$0x3FAD] =	sst s3  }
0xc: {  	[smem:$0x3FAE] =	sst s4  }
0xd: {  	[smem:$0x3FAF] =	sst s5  }
0xe: {  	[smem:$0x3FB0] =	sst s6  }
0xf: {  	[smem:$0x3FB1] =	sst s7  }
0x10: {  	[smem:$0x3FB2] =	sst s8  }
0x11: {  	[smem:$0x3FB3] =	sst s9;
	s0 =	simm.s32 @!p0 $0x0  }
0x12: {  	s1 =	sld [smem:$0x3F99];
	s0 =	simm.s32 @p0 $0x1  }
0x13: {  	[smem:$0x3FB4] =	sst s0;
	s0 =	simm.s32 @!p1 $0x0  }
0x14: {  	s2 =	sld [smem:$0x3F98];
	s0 =	simm.s32 @p1 $0x1  }
0x15: {  	[smem:$0x3FB5] =	sst s0;
	s0 =	simm.s32 @!p2 $0x0  }
0x16: {  	s3 =	sld [smem:$0x3FDB];
	s0 =	simm.s32 @p2 $0x1  }
0x17: {  	s4 =	simm.s32 $0x1BF5;
	[smem:$0x3FB7] =	sst s0  }
0x18: {  	s0 =	sld [smem:$0x3F9A];
	_ =	swait.ge [sflag:s4], $0x0  }
0x19: {  	s7 =	sld [smem:$0x3F9B]  }
0x1a: {  	s8 =	sadd.s32 $0xFFFFE003, lr  }
0x1b: {  	s9 =	sadd.s32 $0xFFFFFEF7, lr;
	s5 =	simm.s32 $0xFFFFFFFF;
	p2 =	slt.u32 s8, $0xFFFFF086  }
0x1c: {  	p1 =	slt.u32 s9, $0xF7A;
	s5 =	simm.s32 @!p2 $0x0  }
0x1d: {  	s5 =	simm.s32 @p1 $0x1;
	p0 =	seq.s32 s7, s2  }
0x1e: {  	s7 =	smul.u32 @!p0 $0xF7A, s2;
	p2 =	seq.s32 @!p0 s5, $0x0  }
0x1f: {  	s9 =	smul.u32 $0xF7A, s1;
	s8 =	simm.s32 @!p0 $0x1BF5;
	p2 =	por !p2, p0  }
0x20: {  	[sflag:s8] =	ssyncset.s32 @!p0 $0xFFFFF086;
	s6 =	sadd.s32 @!p0 s3, s7;
	s7 =	simm.s32 @!p0 $0x108  }
0x21: {  	s3 =	sadd.s32 s3, s9;
	s6 =	sadd.s32 @!p0 $0x88, s6;
	s7 =	simm.s32 @p2 $0x1082  }
0x22: {  	[simem:s7], [sflag:s8] =	dma.local @!p0 [hbm:s6], $0xF7A  }
0x23: {  	s9 =	sor.u32 $0xD0000000, s2;
	s6 =	simm.s32 $0x108;
	_ =	swait.ge @!p0 [sflag:s8], $0x0  }
0x24: {  	s3 =	sadd.s32 $0x88, s3;
	s6 =	simm.s32 @!p1 $0x1082;
	[sflag:s4] =	ssyncset.s32 $0xFFFFF086  }
0x25: {  	[simem:s6], [sflag:s4] =	dma.local [hbm:s3], $0xF7A  }
0x26: {  	[smem:$0x3F9B] =	sst s1;
	(tag) =	ssettag s2;
	_ =	strace s9  }
0x27: {  	s1 =	sld [smem:$0x3FAB]  }
0x28: {  	s2 =	sld [smem:$0x3FAC]  }
0x29: {  	s4 =	sld [smem:$0x3FAE]  }
0x2a: {  	p0 =	seq.s32 s5, $0x0;
	s5 =	sld [smem:$0x3FAF]  }
0x2b: {  	s6 =	sld [smem:$0x3FB0]  }
0x2c: {  	s7 =	sld [smem:$0x3FB1]  }
0x2d: {  	s3 =	simm.s32 $0x108;
	s8 =	sld [smem:$0x3FB2]  }
0x2e: {  	s3 =	simm.s32 @!p0 $0x1082;
	s9 =	sld [smem:$0x3FB3]  }
0x2f: {  	lr =	sadd.s32 s0, s3;
	s0 =	sld [smem:$0x3FAA]  }
0x30: {  	s3 =	sld [smem:$0x3FAD]  }
0x31: {  	[smem:$0x3FB6] =	sst s10  }
0x32: {  	s10 =	sld [smem:$0x3FB4];
	_ =	sdelay $0x3  }
0x33: {  	p0 =	seq.s32 s10, $0x1;
	s10 =	sld [smem:$0x3FB6];
	_ =	sdelay $0x3  }
0x34: {  	[smem:$0x3FB6] =	sst s10  }
0x35: {  	s10 =	sld [smem:$0x3FB5];
	_ =	sdelay $0x3  }
0x36: {  	p1 =	seq.s32 s10, $0x1;
	s10 =	sld [smem:$0x3FB6];
	_ =	sdelay $0x3  }
0x37: {  	[smem:$0x3FB6] =	sst s10  }
0x38: {  	s10 =	sld [smem:$0x3FB7]  }
0x39: {  	_ = 	snop;
	(pc) =	sbr.ind lr, $3  }
0x3a: {  	_ = 	snop  }
0x3b: {  	_ = 	snop  }
0x3c: {  	p2 =	seq.s32 s10, $0x1;
	s10 =	sld [smem:$0x3FB6]  }
0x3d: {  	_ =	shalt  }
0x3e: {  	_ =	shalt  }
0x3f: {  	_ =	shalt  }
0x40: {  	_ =	shalt  }
0x41: {  	_ =	shalt  }
0x42: {  	_ =	shalt  }
0x43: {  	_ =	shalt  }
0x44: {  	_ =	shalt  }
0x45: {  	_ =	shalt  }
0x46: {  	_ =	shalt  }
0x47: {  	_ =	shalt  }
0x48: {  	_ =	shalt  }
0x49: {  	_ =	shalt  }
0x4a: {  	_ =	shalt  }
0x4b: {  	_ =	shalt  }
0x4c: {  	_ =	shalt  }
0x4d: {  	_ =	shalt  }
0x4e: {  	_ =	shalt  }
0x4f: {  	_ =	shalt  }
0x50: {  	_ =	shalt  }
0x51: {  	_ =	shalt  }
0x52: {  	_ =	shalt  }
0x53: {  	_ =	shalt  }
0x54: {  	_ =	shalt  }
0x55: {  	_ =	shalt  }
0x56: {  	_ =	shalt  }
0x57: {  	_ =	shalt  }
0x58: {  	_ =	shalt  }
0x59: {  	_ =	shalt  }
0x5a: {  	_ =	shalt  }
0x5b: {  	_ =	shalt  }
0x5c: {  	_ =	shalt  }
0x5d: {  	_ =	shalt  }
0x5e: {  	_ =	shalt  }
0x5f: {  	_ =	shalt  }
0x60: {  	_ =	shalt  }
0x61: {  	_ =	shalt  }
0x62: {  	_ =	shalt  }
0x63: {  	_ =	shalt  }
0x64: {  	_ =	shalt  }
0x65: {  	_ =	shalt  }
0x66: {  	_ =	shalt  }
0x67: {  	_ =	shalt  }
0x68: {  	_ =	shalt  }
0x69: {  	_ =	shalt  }
0x6a: {  	_ =	shalt  }
0x6b: {  	_ =	shalt  }
0x6c: {  	_ =	shalt  }
0x6d: {  	_ =	shalt  }
0x6e: {  	_ =	shalt  }
0x6f: {  	_ =	shalt  }
0x70: {  	_ =	shalt  }
0x71: {  	_ =	shalt  }
0x72: {  	_ =	shalt  }
0x73: {  	_ =	shalt  }
0x74: {  	_ =	shalt  }
0x75: {  	_ =	shalt  }
0x76: {  	_ =	shalt  }
0x77: {  	_ =	shalt  }
0x78: {  	_ =	shalt  }
0x79: {  	_ =	shalt  }
0x7a: {  	_ =	shalt  }
0x7b: {  	_ =	shalt  }
0x7c: {  	_ =	shalt  }
0x7d: {  	_ =	shalt  }
0x7e: {  	_ =	shalt  }
0x7f: {  	_ =	shalt  }
0x80: {  	_ =	shalt  }
0x81: {  	_ =	shalt  }
0x82: {  	_ =	shalt  }
0x83: {  	_ =	shalt  }
0x84: {  	_ =	shalt  }
0x85: {  	_ =	shalt  }
0x86: {  	_ =	shalt  }
0x87: {  	_ =	shalt  }
.Lfunc_end0:
.L_simem_size_0:
called_computation.1_lowered:
.L_overlay_start_0:
0x88: {  	s2 =	sld [smem:$0x3FD9]  }
0x89: {  	s3 =	sld [smem:$0x3FFE];
	_ =	sdelay $0x1  }
0x8a: {  	s1 =	srdreg.scid  }
0x8b: {  	s0 =	sand.u32 $0x1, s1  }
0x8c: {  	s17 =	sshll.u32 s0, $0xA;
	s2 =	sadd.s32 s3, s2  }
0x8d: {  	s2 =	sadd.s32 s2, s17  }
0x8e: {  	[smem:$0x3FC2] =	sst s2  }
0x8f: {  	_ = 	snop  }
0x90: {  	s2 =	sld [smem:$0x3FD0];
	(tm) =	ssettm $0x1  }
0x91: {  	s18 =	sld [smem:$0x3FFB];
	_ =	sdelay $0x3  }
0x92: {  	_ =	strace s18  }
0x93: {  	s3 =	sld [smem:$0x3FFC];
	_ =	sdelay $0x3  }
0x94: {  	_ =	strace s3  }
0x95: {  	s3 =	sld [smem:$0x3FFD];
	_ =	sdelay $0x3  }
0x96: {  	_ =	strace s3  }
0x97: {  	_ =	strace $0x8FFFFFFF  }
0x98: {  	s19 =	sld [smem:$0x3FDB];
	_ =	sdelay $0x1  }
0x99: {  	s4 =	simm.s32 $_scs_section_size  }
0x9a: {  	s5 =	simm.s32 $_size__tile_overlayer_lowered;
	s6 =	simm.s32 $_tile_overlayer_lowered  }
0x9b: {  	s22 =	simm.s32 $0x1BFF;
	s21 =	sshll.u32 s6, $0x1;
	s3 =	sadd.s32 s4, s19  }
0x9c: {  	s7 =	simm.s32 $0x0;
	s20 =	sshll.u32 s5, $0x1;
	s5 =	sadd.s32 s21, s3  }
0x9d: {  	[timem:s7], [sflag:s22] =	dma.local [hbm:s5], s20  }
0x9e: {  	_ =	swait.ge [sflag:s22], s20  }
0x9f: {  	s4 =	ssub.s32 $0x0, s20;
	[sflag:s22] =	ssyncset.done $0x0  }
0xa0: {  	[sflag:s22] =	ssyncadd.s32 s4;
	_ =	sdelay $0x1  }
0xa1: {  	s23 =	simm.s32 $0x1B8B  }
0xa2: {  	_ =	swait.ge [sflag:s23], $0x1  }
0xa3: {  	[sflag:s23] =	ssyncset.done $0x0  }
0xa4: {  	s25 =	simm.s32 $0x1B8E;
	s24 =	sld [smem:$0x3FFE];
	[sflag:s23] =	ssyncadd.s32 $0xFFFFFFFF  }
0xa5: {  	s26 =	simm.s32 $execute0_lowered;
	[smem:$0x3FD2] =	sst s25  }
0xa6: {  	s5 =	sshll.u32 s26, $0x1;
	_ =	strace $0x80000049;
	[dreg:$0x1] =	wrdreg $0xFFFFFFFF  }
0xa7: {  	s28 =	simm.s32 $_size_execute0_lowered;
	s3 =	sadd.s32 s3, s5;
	[dreg:$0x0] =	wrdreg $0x0  }
0xa8: {  	s5 =	sshll.u32 s28, $0x1;
	[dreg:$0x2] =	wrdreg s3  }
0xa9: {  	[dreg:$0x3] =	wrdreg s5  }
0xaa: {  	[dreg:$0x4] =	wrdreg $0xC0  }
0xab: {  	_ =	task [dreg:s7], $0x5FFFF  }
0xac: {  	[dreg:$0x1] =	wrdreg $0xFFFFFFFF  }
0xad: {  	[dreg:$0x0] =	wrdreg $0x60  }
0xae: {  	[dreg:$0x2] =	wrdreg s24  }
0xaf: {  	[dreg:$0x3] =	wrdreg s2  }
0xb0: {  	[dreg:$0x4] =	wrdreg $0xA0000  }
0xb1: {  	[dreg:$0x5] =	wrdreg $0x9  }
0xb2: {  	_ =	task.clear_ibuf [dreg:s7], $0x6FFFF;
	_ =	strace $0x90000049  }
0xb3: {  	s29 =	simm.s32 $0x9;
	_ =	strace $0x8000004B  }
0xb4: {  	_ =	swait.ge [sflag:s29], $0x1  }
0xb5: {  	[sflag:s29] =	ssyncadd.s32 $0xFFFFFFFF  }
0xb6: {  	_ =	strace $0x9000004B  }
0xb7: {  	_ =	sfence  }
0xb8: {  	s30 =	sld [smem:$0x0];
	_ =	sdelay $0x2  }
0xb9: {  	s31 =	sshll.u32 s1, $0xD;
	s1 =	sshrl.u32 s1, $0x2  }
0xba: {  	s3 =	sand.u32 $0x4000, s31;
	s1 =	sadd.s32 s1, s30  }
0xbb: {  	s0 =	sor.u32 s3, s0;
	s1 =	sshll.u32 s1, $0x11  }
0xbc: {  	s0 =	sor.u32 s1, s0  }
0xbd: {  	s0 =	sadd.s32 $0x8F2B, s0  }
0xbe: {  	[sflag:s0] =	ssyncadd.remote.s32 $0x1  }
0xbf: {  	_ =	sfence.sel $0xFFFF  }
0xc0: {  	[dreg:$0x0] =	wrdreg $0xFFFFFFFF;
	(pc) =	sbr.abs _section_cstart, $3  }
0xc1: {  	[dreg:$0x1] =	wrdreg $0xFFFFFFFF  }
0xc2: {  	_ =	task.clear_ibuf [dreg:s7], $0x2FFFF;
	_ =	strace $0x9FFFFFFF  }
0xc3: {  	(tm) =	ssettm $0x7FFFFFFF  }
tec
execute0_lowered:
.L_overlay_start_1:
0x0: {  	(tag) =	ssettag $0x1  }
0x1: {  	s0 =	rddreg [dreg:$0x0]  }
0x2: {  	s1 =	rddreg [dreg:$0x1]  }
0x3: {  	s2 =	rddreg [dreg:$0x2]  }
0x4: {  	s3 =	srdreg.scid;
	s4 =	simm.s32 $0x0;
	s11 =	stileid.u32  }
0x5: {  	s13 =	simm.s32 $0x3;
	s17 =	simm.s32 $0x1C80;
	s28 =	simm.s32 $0xD00  }
0x6: {  	s15 =	simm.s32 $0x1E00;
	s29 =	simm.s32 $0xF80;
	s16 =	simm.s32 $0x1F80  }
0x7: {  	s3 =	sand.u32 $0x1, s3;
	[smem:$0x7FF] =	sst s4;
	s8 =	smul.u32 $0x14000, s11  }
0x8: {  	s5 =	sadd.s32 $0xBE00, s0;
	s6 =	sadd.s32 $0x1E00, s0;
	s9 =	sadd.s32 $0x33E00, s0  }
0x9: {  	s18 =	sshll.u32 s11, $0x1;
	s20 =	smul.u32 $0x50000, s11;
	s22 =	sshll.u32 s11, $0x6  }
0xa: {  	s7 =	smul.u32 $0x140000, s3;
	_ =	strace $0x8000004A;
	[dreg:$0x4] =	wrdreg s9  }
0xb: {  	s19 =	ssub.s32 $0x2, s3;
	s3 =	sor.u32 s3, s18;
	s24 =	sor.u32 $0x1C04, s22  }
0xc: {  	s18 =	simm.s32 $0x80;
	s22 =	simm.s32 $0x6000;
	s9 =	simm.s32 $0x1F00  }
0xd: {  	s10 =	sshrl.u32 s19, $0x1;
	s3 =	smul.u32 $0x2800, s3;
	[dreg:$0x5] =	wrdreg s24  }
0xe: {  	s7 =	sadd.s32 s8, s7;
	s21 =	ssub.s32 s19, s10;
	s8 =	sshrl.u32 s20, $0x2  }
0xf: {  	s19 =	simm.s32 $0x2000;
	s20 =	simm.s32 $0x800;
	s10 =	simm.s32 $0xF00  }
0x10: {  	s7 =	sshrl.u32 s7, $0x3;
	s8 =	sadd.s32 s8, s2;
	s23 =	sshrl.u32 s3, $0x3  }
0x11: {  	s11 =	sadd.s32 $0x800, s3;
	s12 =	sadd.s32 $0x1000, s3;
	s31 =	smax.u32 s21, $0x1  }
0x12: {  	s21 =	simm.s32 $0x1800;
	s3 =	simm.s32 $0x1D80;
	s0 =	sadd.s32 s7, s0  }
0x13: {  	s25 =	sadd.s32 s6, s23;
	s26 =	sadd.s32 s1, s23;
	[dreg:$0x9] =	wrdreg s31  }
0x14: {  	s30 =	sshrl.u32 s8, $0x3;
	s23 =	simm.s32 $0x1;
	[dreg:$0x6] =	wrdreg s25  }
0x15: {  	s7 =	simm.s32 $0xD80;
	s8 =	simm.s32 $0x1D00;
	[dreg:$0x7] =	wrdreg s26  }
0x16: {  	s0 =	sadd.s32 $0x36600, s0;
	s25 =	simm.s32 $0x2;
	[dreg:$0xa] =	wrdreg s30  }
0x17: {  	s26 =	simm.s32 $0xE00;
	[dreg:$0x8] =	wrdreg s0;
	s0 =	simm.s32 $0x0  }
.LBB2_1:
0x18: {  	[dreg:$0xb] =	wrdreg s0  }
0x19: {  	s31 =	simm.s32 $0x4;
	s14 =	rddreg [dreg:$0x4]  }
0x1a: {  	[spmem:s30], [sflag:s24] =	dma.local [hbm:s14], $0x2800  }
0x1b: {  	_ =	swait.ge [sflag:s31], $0x2800  }
0x1c: {  	[sflag:s31] =	ssyncset.done $0x0  }
0x1d: {  	s24 =	rddreg [dreg:$0x6];
	[sflag:s31] =	ssyncadd.s32 $0xFFFFD800  }
0x1e: {  	[tilespmem:s4], [sflag:$0x4] =	stream.linear.gather [hbm4b:s24+s4], $0x800, $0x38;
	[tilespmem:$0x1E000] =	vst v63  }
0x1f: {  	_ =	swait.ge [sflag:s31], $0x800  }
0x20: {  	[sflag:s31] =	ssyncset.done $0x0  }
0x21: {  	s0 =	simm.s32 $0x1000;
	s30 =	rddreg [dreg:$0x7];
	[sflag:s31] =	ssyncadd.s32 $0xFFFFF800  }
0x22: {  	[tilespmem:s0], [sflag:$0x4] =	stream.linear.gather [hbm4b:s30+s4], $0x800, $0x38;
	[tilespmem:$0x1E000] =	vst v63  }
0x23: {  	_ =	swait.ge [sflag:s31], $0x800  }
0x24: {  	[sflag:s31] =	ssyncset.done $0x0  }
0x25: {  	p0 =	por $0x1, $0x1;
	s14 =	simm.s32 $0x0;
	[sflag:s31] =	ssyncadd.s32 $0xFFFFF800  }
0x26: {  	[tilespmem:s19], [sflag:$0x1] =	stream.indirect.gather [hbm4b:s5+s18], $0x80, s4, s18, $0xb8;
	[tilespmem:$0x1E000] =	vst v63  }
0x27: {  	s0 =	simm.s32 $0xE80;
	s31 =	simm.s32 $0x1E80;
	[bflag:$0x0] =	sbarrier.arrive $0xFFFF  }
.LBB2_2:
0x28: {  	s30 =	sadd.s32 s14, s11  }
0x29: {  	s30 =	sshrl.u32 s30, $0x3  }
0x2a: {  	s24 =	sadd.s32 s6, s30  }
0x2b: {  	[tilespmem:s20], [sflag:$0x3] =	stream.linear.gather [hbm4b:s24+s4], $0x800, $0x38;
	[tilespmem:$0x1E000] =	vst v63  }
0x2c: {  	s30 =	sadd.s32 s1, s30  }
0x2d: {  	[tilespmem:s21], [sflag:$0x3] =	stream.linear.gather [hbm4b:s30+s4], $0x800, $0x38;
	[tilespmem:$0x1E000] =	vst v63  }
0x2e: {  	_ = 	snop  }
0x2f: {  	[tilespmem:s22], [sflag:$0x1] =	stream.indirect.gather [hbm4b:s5+s18], $0x80, s18, s18, $0xb8;
	[tilespmem:$0x1E000] =	vst v63  }
0x30: {  	_ =	swait.ge [sflag:s23], $0x4000  }
0x31: {  	[sflag:s23] =	ssyncset.done $0x0  }
0x32: {  	s30 =	simm.s32 $0x1000;
	[sflag:s23] =	ssyncadd.s32 $0xFFFFC000  }
0x33: {  	[spmem:s2] =	stream.indirect.scatter.add.f32 [tilespmem:s19], [sflag:$0x2], $0x80, s30, s18, $0xb8;
	[tilespmem:$0x1E000] =	vst v63  }
0x34: {  	_ =	swait.ge [sflag:s23], $0x4000  }
0x35: {  	[sflag:s23] =	ssyncset.done $0x0  }
0x36: {  	s24 =	simm.s32 $0x1080;
	[sflag:s23] =	ssyncadd.s32 $0xFFFFC000  }
0x37: {  	[spmem:s2] =	stream.indirect.scatter.add.f32 [tilespmem:s22], [sflag:$0x2], $0x80, s24, s18, $0xb8;
	[tilespmem:$0x1E000] =	vst v63  }
0x38: {  	_ =	swait.ge [sflag:s25], $0x4000  }
0x39: {  	[sflag:s25] =	ssyncset.done $0x0  }
0x3a: {  	s24 =	simm.s32 $0x100;
	[sflag:s25] =	ssyncadd.s32 $0xFFFFC000  }
0x3b: {  	[tilespmem:s19], [sflag:$0x1] =	stream.indirect.gather [hbm4b:s5+s18], $0x80, s24, s18, $0xb8;
	[tilespmem:$0x1E000] =	vst v63  }
0x3c: {  	_ =	swait.ge [sflag:s25], $0x4000  }
0x3d: {  	[sflag:s25] =	ssyncset.done $0x0  }
0x3e: {  	s24 =	simm.s32 $0x180;
	[sflag:s25] =	ssyncadd.s32 $0xFFFFC000  }
0x3f: {  	[tilespmem:s22], [sflag:$0x1] =	stream.indirect.gather [hbm4b:s5+s18], $0x80, s24, s18, $0xb8;
	[tilespmem:$0x1E000] =	vst v63  }
0x40: {  	_ =	swait.ge [sflag:s23], $0x4000  }
0x41: {  	[sflag:s23] =	ssyncset.done $0x0  }
0x42: {  	s24 =	simm.s32 $0x1100;
	[sflag:s23] =	ssyncadd.s32 $0xFFFFC000  }
0x43: {  	[spmem:s2] =	stream.indirect.scatter.add.f32 [tilespmem:s19], [sflag:$0x2], $0x80, s24, s18, $0xb8;
	[tilespmem:$0x1E000] =	vst v63  }
0x44: {  	_ =	swait.ge [sflag:s23], $0x4000  }
0x45: {  	[sflag:s23] =	ssyncset.done $0x0  }
0x46: {  	s24 =	simm.s32 $0x1180;
	[sflag:s23] =	ssyncadd.s32 $0xFFFFC000  }
0x47: {  	[spmem:s2] =	stream.indirect.scatter.add.f32 [tilespmem:s22], [sflag:$0x2], $0x80, s24, s18, $0xb8;
	[tilespmem:$0x1E000] =	vst v63  }
0x48: {  	_ =	swait.ge [sflag:s25], $0x4000  }
0x49: {  	[sflag:s25] =	ssyncset.done $0x0  }
0x4a: {  	s24 =	simm.s32 $0x200;
	[sflag:s25] =	ssyncadd.s32 $0xFFFFC000  }
0x4b: {  	[tilespmem:s19], [sflag:$0x1] =	stream.indirect.gather [hbm4b:s5+s18], $0x80, s24, s18, $0xb8;
	[tilespmem:$0x1E000] =	vst v63  }
0x4c: {  	_ =	swait.ge [sflag:s25], $0x4000  }
0x4d: {  	[sflag:s25] =	ssyncset.done $0x0  }
0x4e: {  	s24 =	simm.s32 $0x280;
	[sflag:s25] =	ssyncadd.s32 $0xFFFFC000  }
0x4f: {  	[tilespmem:s22], [sflag:$0x1] =	stream.indirect.gather [hbm4b:s5+s18], $0x80, s24, s18, $0xb8;
	[tilespmem:$0x1E000] =	vst v63  }
0x50: {  	_ =	swait.ge [sflag:s23], $0x4000  }
0x51: {  	[sflag:s23] =	ssyncset.done $0x0  }
0x52: {  	s24 =	simm.s32 $0x1200;
	[sflag:s23] =	ssyncadd.s32 $0xFFFFC000  }
0x53: {  	[spmem:s2] =	stream.indirect.scatter.add.f32 [tilespmem:s19], [sflag:$0x2], $0x80, s24, s18, $0xb8;
	[tilespmem:$0x1E000] =	vst v63  }
0x54: {  	_ =	swait.ge [sflag:s23], $0x4000  }
0x55: {  	[sflag:s23] =	ssyncset.done $0x0  }
0x56: {  	s24 =	simm.s32 $0x1280;
	[sflag:s23] =	ssyncadd.s32 $0xFFFFC000  }
0x57: {  	[spmem:s2] =	stream.indirect.scatter.add.f32 [tilespmem:s22], [sflag:$0x2], $0x80, s24, s18, $0xb8;
	[tilespmem:$0x1E000] =	vst v63  }
0x58: {  	_ =	swait.ge [sflag:s25], $0x4000  }
0x59: {  	[sflag:s25] =	ssyncset.done $0x0  }
0x5a: {  	s24 =	simm.s32 $0x300;
	[sflag:s25] =	ssyncadd.s32 $0xFFFFC000  }
0x5b: {  	[tilespmem:s19], [sflag:$0x1] =	stream.indirect.gather [hbm4b:s5+s18], $0x80, s24, s18, $0xb8;
	[tilespmem:$0x1E000] =	vst v63  }
0x5c: {  	_ =	swait.ge [sflag:s25], $0x4000  }
0x5d: {  	[sflag:s25] =	ssyncset.done $0x0  }
0x5e: {  	s24 =	simm.s32 $0x380;
	[sflag:s25] =	ssyncadd.s32 $0xFFFFC000  }
0x5f: {  	[tilespmem:s22], [sflag:$0x1] =	stream.indirect.gather [hbm4b:s5+s18], $0x80, s24, s18, $0xb8;
	[tilespmem:$0x1E000] =	vst v63  }
0x60: {  	_ =	swait.ge [sflag:s23], $0x4000  }
0x61: {  	[sflag:s23] =	ssyncset.done $0x0  }
0x62: {  	s24 =	simm.s32 $0x1300;
	[sflag:s23] =	ssyncadd.s32 $0xFFFFC000  }
0x63: {  	[spmem:s2] =	stream.indirect.scatter.add.f32 [tilespmem:s19], [sflag:$0x2], $0x80, s24, s18, $0xb8;
	[tilespmem:$0x1E000] =	vst v63  }
0x64: {  	_ =	swait.ge [sflag:s23], $0x4000  }
0x65: {  	[sflag:s23] =	ssyncset.done $0x0  }
0x66: {  	s24 =	simm.s32 $0x1380;
	[sflag:s23] =	ssyncadd.s32 $0xFFFFC000  }
0x67: {  	[spmem:s2] =	stream.indirect.scatter.add.f32 [tilespmem:s22], [sflag:$0x2], $0x80, s24, s18, $0xb8;
	[tilespmem:$0x1E000] =	vst v63  }
0x68: {  	_ =	swait.ge [sflag:s25], $0x4000  }
0x69: {  	[sflag:s25] =	ssyncset.done $0x0  }
0x6a: {  	s24 =	simm.s32 $0x400;
	[sflag:s25] =	ssyncadd.s32 $0xFFFFC000  }
0x6b: {  	[tilespmem:s19], [sflag:$0x1] =	stream.indirect.gather [hbm4b:s5+s18], $0x80, s24, s18, $0xb8;
	[tilespmem:$0x1E000] =	vst v63  }
0x6c: {  	_ =	swait.ge [sflag:s25], $0x4000  }
0x6d: {  	[sflag:s25] =	ssyncset.done $0x0  }
0x6e: {  	s24 =	simm.s32 $0x480;
	[sflag:s25] =	ssyncadd.s32 $0xFFFFC000  }
0x6f: {  	[tilespmem:s22], [sflag:$0x1] =	stream.indirect.gather [hbm4b:s5+s18], $0x80, s24, s18, $0xb8;
	[tilespmem:$0x1E000] =	vst v63  }
0x70: {  	_ =	swait.ge [sflag:s23], $0x4000  }
0x71: {  	[sflag:s23] =	ssyncset.done $0x0  }
0x72: {  	s24 =	simm.s32 $0x1400;
	[sflag:s23] =	ssyncadd.s32 $0xFFFFC000  }
0x73: {  	[spmem:s2] =	stream.indirect.scatter.add.f32 [tilespmem:s19], [sflag:$0x2], $0x80, s24, s18, $0xb8;
	[tilespmem:$0x1E000] =	vst v63  }
0x74: {  	_ =	swait.ge [sflag:s23], $0x4000  }
0x75: {  	[sflag:s23] =	ssyncset.done $0x0  }
0x76: {  	s24 =	simm.s32 $0x1480;
	[sflag:s23] =	ssyncadd.s32 $0xFFFFC000  }
0x77: {  	[spmem:s2] =	stream.indirect.scatter.add.f32 [tilespmem:s22], [sflag:$0x2], $0x80, s24, s18, $0xb8;
	[tilespmem:$0x1E000] =	vst v63  }
0x78: {  	_ =	swait.ge [sflag:s25], $0x4000  }
0x79: {  	[sflag:s25] =	ssyncset.done $0x0  }
0x7a: {  	s24 =	simm.s32 $0x500;
	[sflag:s25] =	ssyncadd.s32 $0xFFFFC000  }
0x7b: {  	[tilespmem:s19], [sflag:$0x1] =	stream.indirect.gather [hbm4b:s5+s18], $0x80, s24, s18, $0xb8;
	[tilespmem:$0x1E000] =	vst v63  }
0x7c: {  	_ =	swait.ge [sflag:s25], $0x4000  }
0x7d: {  	[sflag:s25] =	ssyncset.done $0x0  }
0x7e: {  	s24 =	simm.s32 $0x580;
	[sflag:s25] =	ssyncadd.s32 $0xFFFFC000  }
0x7f: {  	[tilespmem:s22], [sflag:$0x1] =	stream.indirect.gather [hbm4b:s5+s18], $0x80, s24, s18, $0xb8;
	[tilespmem:$0x1E000] =	vst v63  }
0x80: {  	_ =	swait.ge [sflag:s23], $0x4000  }
0x81: {  	[sflag:s23] =	ssyncset.done $0x0  }
0x82: {  	s24 =	simm.s32 $0x1500;
	[sflag:s23] =	ssyncadd.s32 $0xFFFFC000  }
0x83: {  	[spmem:s2] =	stream.indirect.scatter.add.f32 [tilespmem:s19], [sflag:$0x2], $0x80, s24, s18, $0xb8;
	[tilespmem:$0x1E000] =	vst v63  }
0x84: {  	_ =	swait.ge [sflag:s23], $0x4000  }
0x85: {  	[sflag:s23] =	ssyncset.done $0x0  }
0x86: {  	s24 =	simm.s32 $0x1580;
	[sflag:s23] =	ssyncadd.s32 $0xFFFFC000  }
0x87: {  	[spmem:s2] =	stream.indirect.scatter.add.f32 [tilespmem:s22], [sflag:$0x2], $0x80, s24, s18, $0xb8;
	[tilespmem:$0x1E000] =	vst v63  }
0x88: {  	_ =	swait.ge [sflag:s25], $0x4000  }
0x89: {  	[sflag:s25] =	ssyncset.done $0x0  }
0x8a: {  	s24 =	simm.s32 $0x600;
	[sflag:s25] =	ssyncadd.s32 $0xFFFFC000  }
0x8b: {  	[tilespmem:s19], [sflag:$0x1] =	stream.indirect.gather [hbm4b:s5+s18], $0x80, s24, s18, $0xb8;
	[tilespmem:$0x1E000] =	vst v63  }
0x8c: {  	_ =	swait.ge [sflag:s25], $0x4000  }
0x8d: {  	[sflag:s25] =	ssyncset.done $0x0  }
0x8e: {  	s24 =	simm.s32 $0x680;
	[sflag:s25] =	ssyncadd.s32 $0xFFFFC000  }
0x8f: {  	[tilespmem:s22], [sflag:$0x1] =	stream.indirect.gather [hbm4b:s5+s18], $0x80, s24, s18, $0xb8;
	[tilespmem:$0x1E000] =	vst v63  }
0x90: {  	_ =	swait.ge [sflag:s23], $0x4000  }
0x91: {  	[sflag:s23] =	ssyncset.done $0x0  }
0x92: {  	s24 =	simm.s32 $0x1600;
	[sflag:s23] =	ssyncadd.s32 $0xFFFFC000  }
0x93: {  	[spmem:s2] =	stream.indirect.scatter.add.f32 [tilespmem:s19], [sflag:$0x2], $0x80, s24, s18, $0xb8;
	[tilespmem:$0x1E000] =	vst v63  }
0x94: {  	_ =	swait.ge [sflag:s23], $0x4000  }
0x95: {  	[sflag:s23] =	ssyncset.done $0x0  }
0x96: {  	s24 =	simm.s32 $0x1680;
	[sflag:s23] =	ssyncadd.s32 $0xFFFFC000  }
0x97: {  	[spmem:s2] =	stream.indirect.scatter.add.f32 [tilespmem:s22], [sflag:$0x2], $0x80, s24, s18, $0xb8;
	[tilespmem:$0x1E000] =	vst v63  }
0x98: {  	_ =	swait.ge [sflag:s25], $0x4000  }
0x99: {  	[sflag:s25] =	ssyncset.done $0x0  }
0x9a: {  	s24 =	simm.s32 $0x700;
	[sflag:s25] =	ssyncadd.s32 $0xFFFFC000  }
0x9b: {  	[tilespmem:s19], [sflag:$0x1] =	stream.indirect.gather [hbm4b:s5+s18], $0x80, s24, s18, $0xb8;
	[tilespmem:$0x1E000] =	vst v63  }
0x9c: {  	_ =	swait.ge [sflag:s25], $0x4000  }
0x9d: {  	[sflag:s25] =	ssyncset.done $0x0  }
0x9e: {  	s24 =	simm.s32 $0x780;
	[sflag:s25] =	ssyncadd.s32 $0xFFFFC000  }
0x9f: {  	[tilespmem:s22], [sflag:$0x1] =	stream.indirect.gather [hbm4b:s5+s18], $0x80, s24, s18, $0xb8;
	[tilespmem:$0x1E000] =	vst v63  }
0xa0: {  	_ =	swait.ge [sflag:s23], $0x4000  }
0xa1: {  	[sflag:s23] =	ssyncset.done $0x0  }
0xa2: {  	s24 =	simm.s32 $0x1700;
	[sflag:s23] =	ssyncadd.s32 $0xFFFFC000  }
0xa3: {  	[spmem:s2] =	stream.indirect.scatter.add.f32 [tilespmem:s19], [sflag:$0x2], $0x80, s24, s18, $0xb8;
	[tilespmem:$0x1E000] =	vst v63  }
0xa4: {  	_ =	swait.ge [sflag:s23], $0x4000  }
0xa5: {  	[sflag:s23] =	ssyncset.done $0x0  }
0xa6: {  	s24 =	simm.s32 $0x1780;
	[sflag:s23] =	ssyncadd.s32 $0xFFFFC000  }
0xa7: {  	[spmem:s2] =	stream.indirect.scatter.add.f32 [tilespmem:s22], [sflag:$0x2], $0x80, s24, s18, $0xb8;
	[tilespmem:$0x1E000] =	vst v63  }
0xa8: {  	_ =	swait.ge [sflag:s25], $0x4000  }
0xa9: {  	[sflag:s25] =	ssyncset.done $0x0  }
0xaa: {  	[sflag:s25] =	ssyncadd.s32 $0xFFFFC000  }
0xab: {  	_ =	swait.ge [sflag:s25], $0x4000  }
0xac: {  	[sflag:s25] =	ssyncset.done $0x0  }
0xad: {  	[sflag:s25] =	ssyncadd.s32 $0xFFFFC000  }
0xae: {  	_ =	swait.ge [sflag:s13], $0x800  }
0xaf: {  	[sflag:s13] =	ssyncset.done $0x0  }
0xb0: {  	[sflag:s13] =	ssyncadd.s32 $0xFFFFF800  }
0xb1: {  	_ =	swait.ge [sflag:s13], $0x800  }
0xb2: {  	s24 =	sadd.s32 s14, s12;
	[sflag:s13] =	ssyncset.done $0x0  }
0xb3: {  	s14 =	sshrl.u32 s24, $0x3;
	[sflag:s13] =	ssyncadd.s32 $0xFFFFF800  }
0xb4: {  	[tilespmem:s19], [sflag:$0x1] =	stream.indirect.gather [hbm4b:s5+s18], $0x80, s20, s18, $0xb8;
	[tilespmem:$0x1E000] =	vst v63  }
0xb5: {  	s24 =	sadd.s32 s6, s14  }
0xb6: {  	[tilespmem:s4], [sflag:$0x3] =	stream.linear.gather [hbm4b:s24+s4], $0x800, $0x38;
	[tilespmem:$0x1E000] =	vst v63  }
0xb7: {  	s14 =	sadd.s32 s1, s14  }
0xb8: {  	[tilespmem:s30], [sflag:$0x3] =	stream.linear.gather [hbm4b:s14+s4], $0x800, $0x38;
	[tilespmem:$0x1E000] =	vst v63  }
0xb9: {  	s30 =	simm.s32 $0x880  }
0xba: {  	[tilespmem:s22], [sflag:$0x1] =	stream.indirect.gather [hbm4b:s5+s18], $0x80, s30, s18, $0xb8;
	[tilespmem:$0x1E000] =	vst v63  }
0xbb: {  	_ =	swait.ge [sflag:s23], $0x4000  }
0xbc: {  	[sflag:s23] =	ssyncset.done $0x0  }
0xbd: {  	[sflag:s23] =	ssyncadd.s32 $0xFFFFC000  }
0xbe: {  	[spmem:s2] =	stream.indirect.scatter.add.f32 [tilespmem:s19], [sflag:$0x2], $0x80, s21, s18, $0xb8;
	[tilespmem:$0x1E000] =	vst v63  }
0xbf: {  	_ =	swait.ge [sflag:s23], $0x4000  }
0xc0: {  	[sflag:s23] =	ssyncset.done $0x0  }
0xc1: {  	s24 =	simm.s32 $0x1880;
	[sflag:s23] =	ssyncadd.s32 $0xFFFFC000  }
0xc2: {  	[spmem:s2] =	stream.indirect.scatter.add.f32 [tilespmem:s22], [sflag:$0x2], $0x80, s24, s18, $0xb8;
	[tilespmem:$0x1E000] =	vst v63  }
0xc3: {  	_ =	swait.ge [sflag:s25], $0x4000  }
0xc4: {  	[sflag:s25] =	ssyncset.done $0x0  }
0xc5: {  	s30 =	simm.s32 $0x900;
	[sflag:s25] =	ssyncadd.s32 $0xFFFFC000  }
0xc6: {  	[tilespmem:s19], [sflag:$0x1] =	stream.indirect.gather [hbm4b:s5+s18], $0x80, s30, s18, $0xb8;
	[tilespmem:$0x1E000] =	vst v63  }
0xc7: {  	_ =	swait.ge [sflag:s25], $0x4000  }
0xc8: {  	[sflag:s25] =	ssyncset.done $0x0  }
0xc9: {  	s24 =	simm.s32 $0x980;
	[sflag:s25] =	ssyncadd.s32 $0xFFFFC000  }
0xca: {  	[tilespmem:s22], [sflag:$0x1] =	stream.indirect.gather [hbm4b:s5+s18], $0x80, s24, s18, $0xb8;
	[tilespmem:$0x1E000] =	vst v63  }
0xcb: {  	_ =	swait.ge [sflag:s23], $0x4000  }
0xcc: {  	[sflag:s23] =	ssyncset.done $0x0  }
0xcd: {  	s30 =	simm.s32 $0x1900;
	[sflag:s23] =	ssyncadd.s32 $0xFFFFC000  }
0xce: {  	[spmem:s2] =	stream.indirect.scatter.add.f32 [tilespmem:s19], [sflag:$0x2], $0x80, s30, s18, $0xb8;
	[tilespmem:$0x1E000] =	vst v63  }
0xcf: {  	_ =	swait.ge [sflag:s23], $0x4000  }
0xd0: {  	[sflag:s23] =	ssyncset.done $0x0  }
0xd1: {  	s24 =	simm.s32 $0x1980;
	[sflag:s23] =	ssyncadd.s32 $0xFFFFC000  }
0xd2: {  	[spmem:s2] =	stream.indirect.scatter.add.f32 [tilespmem:s22], [sflag:$0x2], $0x80, s24, s18, $0xb8;
	[tilespmem:$0x1E000] =	vst v63  }
0xd3: {  	_ =	swait.ge [sflag:s25], $0x4000  }
0xd4: {  	[sflag:s25] =	ssyncset.done $0x0  }
0xd5: {  	s30 =	simm.s32 $0xA00;
	[sflag:s25] =	ssyncadd.s32 $0xFFFFC000  }
0xd6: {  	[tilespmem:s19], [sflag:$0x1] =	stream.indirect.gather [hbm4b:s5+s18], $0x80, s30, s18, $0xb8;
	[tilespmem:$0x1E000] =	vst v63  }
0xd7: {  	_ =	swait.ge [sflag:s25], $0x4000  }
0xd8: {  	[sflag:s25] =	ssyncset.done $0x0  }
0xd9: {  	s24 =	simm.s32 $0xA80;
	[sflag:s25] =	ssyncadd.s32 $0xFFFFC000  }
0xda: {  	[tilespmem:s22], [sflag:$0x1] =	stream.indirect.gather [hbm4b:s5+s18], $0x80, s24, s18, $0xb8;
	[tilespmem:$0x1E000] =	vst v63  }
0xdb: {  	_ =	swait.ge [sflag:s23], $0x4000  }
0xdc: {  	[sflag:s23] =	ssyncset.done $0x0  }
0xdd: {  	s30 =	simm.s32 $0x1A00;
	[sflag:s23] =	ssyncadd.s32 $0xFFFFC000  }
0xde: {  	[spmem:s2] =	stream.indirect.scatter.add.f32 [tilespmem:s19], [sflag:$0x2], $0x80, s30, s18, $0xb8;
	[tilespmem:$0x1E000] =	vst v63  }
0xdf: {  	_ =	swait.ge [sflag:s23], $0x4000  }
0xe0: {  	[sflag:s23] =	ssyncset.done $0x0  }
0xe1: {  	s24 =	simm.s32 $0x1A80;
	[sflag:s23] =	ssyncadd.s32 $0xFFFFC000  }
0xe2: {  	[spmem:s2] =	stream.indirect.scatter.add.f32 [tilespmem:s22], [sflag:$0x2], $0x80, s24, s18, $0xb8;
	[tilespmem:$0x1E000] =	vst v63  }
0xe3: {  	_ =	swait.ge [sflag:s25], $0x4000  }
0xe4: {  	[sflag:s25] =	ssyncset.done $0x0  }
0xe5: {  	s30 =	simm.s32 $0xB00;
	[sflag:s25] =	ssyncadd.s32 $0xFFFFC000  }
0xe6: {  	[tilespmem:s19], [sflag:$0x1] =	stream.indirect.gather [hbm4b:s5+s18], $0x80, s30, s18, $0xb8;
	[tilespmem:$0x1E000] =	vst v63  }
0xe7: {  	_ =	swait.ge [sflag:s25], $0x4000  }
0xe8: {  	[sflag:s25] =	ssyncset.done $0x0  }
0xe9: {  	s24 =	simm.s32 $0xB80;
	[sflag:s25] =	ssyncadd.s32 $0xFFFFC000  }
0xea: {  	[tilespmem:s22], [sflag:$0x1] =	stream.indirect.gather [hbm4b:s5+s18], $0x80, s24, s18, $0xb8;
	[tilespmem:$0x1E000] =	vst v63  }
0xeb: {  	_ =	swait.ge [sflag:s23], $0x4000  }
0xec: {  	[sflag:s23] =	ssyncset.done $0x0  }
0xed: {  	s30 =	simm.s32 $0x1B00;
	[sflag:s23] =	ssyncadd.s32 $0xFFFFC000  }
0xee: {  	[spmem:s2] =	stream.indirect.scatter.add.f32 [tilespmem:s19], [sflag:$0x2], $0x80, s30, s18, $0xb8;
	[tilespmem:$0x1E000] =	vst v63  }
0xef: {  	_ =	swait.ge [sflag:s23], $0x4000  }
0xf0: {  	[sflag:s23] =	ssyncset.done $0x0  }
0xf1: {  	s24 =	simm.s32 $0x1B80;
	[sflag:s23] =	ssyncadd.s32 $0xFFFFC000  }
0xf2: {  	[spmem:s2] =	stream.indirect.scatter.add.f32 [tilespmem:s22], [sflag:$0x2], $0x80, s24, s18, $0xb8;
	[tilespmem:$0x1E000] =	vst v63  }
0xf3: {  	_ =	swait.ge [sflag:s25], $0x4000  }
0xf4: {  	[sflag:s25] =	ssyncset.done $0x0  }
0xf5: {  	s30 =	simm.s32 $0xC00;
	[sflag:s25] =	ssyncadd.s32 $0xFFFFC000  }
0xf6: {  	[tilespmem:s19], [sflag:$0x1] =	stream.indirect.gather [hbm4b:s5+s18], $0x80, s30, s18, $0xb8;
	[tilespmem:$0x1E000] =	vst v63  }
0xf7: {  	_ =	swait.ge [sflag:s25], $0x4000  }
0xf8: {  	[sflag:s25] =	ssyncset.done $0x0  }
0xf9: {  	s24 =	simm.s32 $0xC80;
	[sflag:s25] =	ssyncadd.s32 $0xFFFFC000  }
0xfa: {  	[tilespmem:s22], [sflag:$0x1] =	stream.indirect.gather [hbm4b:s5+s18], $0x80, s24, s18, $0xb8;
	[tilespmem:$0x1E000] =	vst v63  }
0xfb: {  	_ =	swait.ge [sflag:s23], $0x4000  }
0xfc: {  	[sflag:s23] =	ssyncset.done $0x0  }
0xfd: {  	s30 =	simm.s32 $0x1C00;
	[sflag:s23] =	ssyncadd.s32 $0xFFFFC000  }
0xfe: {  	[spmem:s2] =	stream.indirect.scatter.add.f32 [tilespmem:s19], [sflag:$0x2], $0x80, s30, s18, $0xb8;
	[tilespmem:$0x1E000] =	vst v63  }
0xff: {  	_ =	swait.ge [sflag:s23], $0x4000  }
0x100: {  	[sflag:s23] =	ssyncset.done $0x0  }
0x101: {  	[sflag:s23] =	ssyncadd.s32 $0xFFFFC000  }
0x102: {  	[spmem:s2] =	stream.indirect.scatter.add.f32 [tilespmem:s22], [sflag:$0x2], $0x80, s17, s18, $0xb8;
	[tilespmem:$0x1E000] =	vst v63  }
0x103: {  	_ =	swait.ge [sflag:s25], $0x4000  }
0x104: {  	[sflag:s25] =	ssyncset.done $0x0  }
0x105: {  	[sflag:s25] =	ssyncadd.s32 $0xFFFFC000  }
0x106: {  	[tilespmem:s19], [sflag:$0x1] =	stream.indirect.gather [hbm4b:s5+s18], $0x80, s28, s18, $0xb8;
	[tilespmem:$0x1E000] =	vst v63  }
0x107: {  	_ =	swait.ge [sflag:s25], $0x4000  }
0x108: {  	[sflag:s25] =	ssyncset.done $0x0  }
0x109: {  	[sflag:s25] =	ssyncadd.s32 $0xFFFFC000  }
0x10a: {  	[tilespmem:s22], [sflag:$0x1] =	stream.indirect.gather [hbm4b:s5+s18], $0x80, s7, s18, $0xb8;
	[tilespmem:$0x1E000] =	vst v63  }
0x10b: {  	_ =	swait.ge [sflag:s23], $0x4000  }
0x10c: {  	[sflag:s23] =	ssyncset.done $0x0  }
0x10d: {  	[sflag:s23] =	ssyncadd.s32 $0xFFFFC000  }
0x10e: {  	[spmem:s2] =	stream.indirect.scatter.add.f32 [tilespmem:s19], [sflag:$0x2], $0x80, s8, s18, $0xb8;
	[tilespmem:$0x1E000] =	vst v63  }
0x10f: {  	_ =	swait.ge [sflag:s23], $0x4000  }
0x110: {  	[sflag:s23] =	ssyncset.done $0x0  }
0x111: {  	[sflag:s23] =	ssyncadd.s32 $0xFFFFC000  }
0x112: {  	[spmem:s2] =	stream.indirect.scatter.add.f32 [tilespmem:s22], [sflag:$0x2], $0x80, s3, s18, $0xb8;
	[tilespmem:$0x1E000] =	vst v63  }
0x113: {  	_ =	swait.ge [sflag:s25], $0x4000  }
0x114: {  	[sflag:s25] =	ssyncset.done $0x0  }
0x115: {  	[sflag:s25] =	ssyncadd.s32 $0xFFFFC000  }
0x116: {  	[tilespmem:s19], [sflag:$0x1] =	stream.indirect.gather [hbm4b:s5+s18], $0x80, s26, s18, $0xb8;
	[tilespmem:$0x1E000] =	vst v63  }
0x117: {  	_ =	swait.ge [sflag:s25], $0x4000  }
0x118: {  	[sflag:s25] =	ssyncset.done $0x0  }
0x119: {  	[sflag:s25] =	ssyncadd.s32 $0xFFFFC000  }
0x11a: {  	[tilespmem:s22], [sflag:$0x1] =	stream.indirect.gather [hbm4b:s5+s18], $0x80, s0, s18, $0xb8;
	[tilespmem:$0x1E000] =	vst v63  }
0x11b: {  	_ =	swait.ge [sflag:s23], $0x4000  }
0x11c: {  	[sflag:s23] =	ssyncset.done $0x0  }
0x11d: {  	[sflag:s23] =	ssyncadd.s32 $0xFFFFC000  }
0x11e: {  	[spmem:s2] =	stream.indirect.scatter.add.f32 [tilespmem:s19], [sflag:$0x2], $0x80, s15, s18, $0xb8;
	[tilespmem:$0x1E000] =	vst v63  }
0x11f: {  	_ =	swait.ge [sflag:s23], $0x4000  }
0x120: {  	[sflag:s23] =	ssyncset.done $0x0  }
0x121: {  	[sflag:s23] =	ssyncadd.s32 $0xFFFFC000  }
0x122: {  	[spmem:s2] =	stream.indirect.scatter.add.f32 [tilespmem:s22], [sflag:$0x2], $0x80, s31, s18, $0xb8;
	[tilespmem:$0x1E000] =	vst v63  }
0x123: {  	_ =	swait.ge [sflag:s25], $0x4000  }
0x124: {  	[sflag:s25] =	ssyncset.done $0x0  }
0x125: {  	[sflag:s25] =	ssyncadd.s32 $0xFFFFC000  }
0x126: {  	[tilespmem:s19], [sflag:$0x1] =	stream.indirect.gather [hbm4b:s5+s18], $0x80, s10, s18, $0xb8;
	[tilespmem:$0x1E000] =	vst v63  }
0x127: {  	_ =	swait.ge [sflag:s25], $0x4000  }
0x128: {  	[sflag:s25] =	ssyncset.done $0x0  }
0x129: {  	[sflag:s25] =	ssyncadd.s32 $0xFFFFC000  }
0x12a: {  	[tilespmem:s22], [sflag:$0x1] =	stream.indirect.gather [hbm4b:s5+s18], $0x80, s29, s18, $0xb8;
	[tilespmem:$0x1E000] =	vst v63  }
0x12b: {  	_ =	swait.ge [sflag:s23], $0x4000  }
0x12c: {  	[sflag:s23] =	ssyncset.done $0x0  }
0x12d: {  	[sflag:s23] =	ssyncadd.s32 $0xFFFFC000  }
0x12e: {  	[spmem:s2] =	stream.indirect.scatter.add.f32 [tilespmem:s19], [sflag:$0x2], $0x80, s9, s18, $0xb8;
	[tilespmem:$0x1E000] =	vst v63  }
0x12f: {  	_ =	swait.ge [sflag:s23], $0x4000  }
0x130: {  	[sflag:s23] =	ssyncset.done $0x0  }
0x131: {  	[sflag:s23] =	ssyncadd.s32 $0xFFFFC000  }
0x132: {  	[spmem:s2] =	stream.indirect.scatter.add.f32 [tilespmem:s22], [sflag:$0x2], $0x80, s16, s18, $0xb8;
	[tilespmem:$0x1E000] =	vst v63  }
0x133: {  	_ =	swait.ge [sflag:s25], $0x4000  }
0x134: {  	[sflag:s25] =	ssyncset.done $0x0  }
0x135: {  	[sflag:s25] =	ssyncadd.s32 $0xFFFFC000  }
0x136: {  	_ =	swait.ge [sflag:s25], $0x4000  }
0x137: {  	[sflag:s25] =	ssyncset.done $0x0  }
0x138: {  	[sflag:s25] =	ssyncadd.s32 $0xFFFFC000  }
0x139: {  	_ =	swait.ge [sflag:s13], $0x800  }
0x13a: {  	p1 =	por p0, p0;
	[sflag:s13] =	ssyncset.done $0x0  }
.Ltmp0:
0x13b: {  	[sflag:s13] =	ssyncadd.s32 $0xFFFFF800;
	(pc) =	sbr.rel @p1 .LBB2_2-.Ltmp0, $4  }
0x13c: {  	_ =	swait.ge [sflag:s13], $0x800  }
0x13d: {  	[sflag:s13] =	ssyncset.done $0x0  }
0x13e: {  	p0 =	por $0x0, $0x0;
	s14 =	simm.s32 $0x1000;
	[sflag:s13] =	ssyncadd.s32 $0xFFFFF800  }
0x13f: {  	[tilespmem:s19], [sflag:$0x1] =	stream.indirect.gather [hbm4b:s5+s18], $0x80, s4, s18, $0xb8;
	[tilespmem:$0x1E000] =	vst v63  }
0x140: {  	[tilespmem:s22], [sflag:$0x1] =	stream.indirect.gather [hbm4b:s5+s18], $0x80, s18, s18, $0xb8;
	[tilespmem:$0x1E000] =	vst v63  }
0x141: {  	_ =	swait.ge [sflag:s23], $0x4000  }
0x142: {  	[sflag:s23] =	ssyncset.done $0x0  }
0x143: {  	s14 =	simm.s32 $0x1000;
	[sflag:s23] =	ssyncadd.s32 $0xFFFFC000  }
0x144: {  	[spmem:s2] =	stream.indirect.scatter.add.f32 [tilespmem:s19], [sflag:$0x2], $0x80, s14, s18, $0xb8;
	[tilespmem:$0x1E000] =	vst v63  }
0x145: {  	_ =	swait.ge [sflag:s23], $0x4000  }
0x146: {  	[sflag:s23] =	ssyncset.done $0x0  }
0x147: {  	s0 =	simm.s32 $0x1080;
	[sflag:s23] =	ssyncadd.s32 $0xFFFFC000  }
0x148: {  	[spmem:s2] =	stream.indirect.scatter.add.f32 [tilespmem:s22], [sflag:$0x2], $0x80, s0, s18, $0xb8;
	[tilespmem:$0x1E000] =	vst v63  }
0x149: {  	_ =	swait.ge [sflag:s25], $0x4000  }
0x14a: {  	[sflag:s25] =	ssyncset.done $0x0  }
0x14b: {  	s31 =	simm.s32 $0x100;
	[sflag:s25] =	ssyncadd.s32 $0xFFFFC000  }
0x14c: {  	[tilespmem:s19], [sflag:$0x1] =	stream.indirect.gather [hbm4b:s5+s18], $0x80, s31, s18, $0xb8;
	[tilespmem:$0x1E000] =	vst v63  }
0x14d: {  	_ =	swait.ge [sflag:s25], $0x4000  }
0x14e: {  	[sflag:s25] =	ssyncset.done $0x0  }
0x14f: {  	s14 =	simm.s32 $0x180;
	[sflag:s25] =	ssyncadd.s32 $0xFFFFC000  }
0x150: {  	[tilespmem:s22], [sflag:$0x1] =	stream.indirect.gather [hbm4b:s5+s18], $0x80, s14, s18, $0xb8;
	[tilespmem:$0x1E000] =	vst v63  }
0x151: {  	_ =	swait.ge [sflag:s23], $0x4000  }
0x152: {  	[sflag:s23] =	ssyncset.done $0x0  }
0x153: {  	s24 =	simm.s32 $0x1100;
	[sflag:s23] =	ssyncadd.s32 $0xFFFFC000  }
0x154: {  	[spmem:s2] =	stream.indirect.scatter.add.f32 [tilespmem:s19], [sflag:$0x2], $0x80, s24, s18, $0xb8;
	[tilespmem:$0x1E000] =	vst v63  }
0x155: {  	_ =	swait.ge [sflag:s23], $0x4000  }
0x156: {  	[sflag:s23] =	ssyncset.done $0x0  }
0x157: {  	s31 =	simm.s32 $0x1180;
	[sflag:s23] =	ssyncadd.s32 $0xFFFFC000  }
0x158: {  	[spmem:s2] =	stream.indirect.scatter.add.f32 [tilespmem:s22], [sflag:$0x2], $0x80, s31, s18, $0xb8;
	[tilespmem:$0x1E000] =	vst v63  }
0x159: {  	_ =	swait.ge [sflag:s25], $0x4000  }
0x15a: {  	[sflag:s25] =	ssyncset.done $0x0  }
0x15b: {  	s14 =	simm.s32 $0x200;
	[sflag:s25] =	ssyncadd.s32 $0xFFFFC000  }
0x15c: {  	[tilespmem:s19], [sflag:$0x1] =	stream.indirect.gather [hbm4b:s5+s18], $0x80, s14, s18, $0xb8;
	[tilespmem:$0x1E000] =	vst v63  }
0x15d: {  	_ =	swait.ge [sflag:s25], $0x4000  }
0x15e: {  	[sflag:s25] =	ssyncset.done $0x0  }
0x15f: {  	s24 =	simm.s32 $0x280;
	[sflag:s25] =	ssyncadd.s32 $0xFFFFC000  }
0x160: {  	[tilespmem:s22], [sflag:$0x1] =	stream.indirect.gather [hbm4b:s5+s18], $0x80, s24, s18, $0xb8;
	[tilespmem:$0x1E000] =	vst v63  }
0x161: {  	_ =	swait.ge [sflag:s23], $0x4000  }
0x162: {  	[sflag:s23] =	ssyncset.done $0x0  }
0x163: {  	s31 =	simm.s32 $0x1200;
	[sflag:s23] =	ssyncadd.s32 $0xFFFFC000  }
0x164: {  	[spmem:s2] =	stream.indirect.scatter.add.f32 [tilespmem:s19], [sflag:$0x2], $0x80, s31, s18, $0xb8;
	[tilespmem:$0x1E000] =	vst v63  }
0x165: {  	_ =	swait.ge [sflag:s23], $0x4000  }
0x166: {  	[sflag:s23] =	ssyncset.done $0x0  }
0x167: {  	s14 =	simm.s32 $0x1280;
	[sflag:s23] =	ssyncadd.s32 $0xFFFFC000  }
0x168: {  	[spmem:s2] =	stream.indirect.scatter.add.f32 [tilespmem:s22], [sflag:$0x2], $0x80, s14, s18, $0xb8;
	[tilespmem:$0x1E000] =	vst v63  }
0x169: {  	_ =	swait.ge [sflag:s25], $0x4000  }
0x16a: {  	[sflag:s25] =	ssyncset.done $0x0  }
0x16b: {  	s24 =	simm.s32 $0x300;
	[sflag:s25] =	ssyncadd.s32 $0xFFFFC000  }
0x16c: {  	[tilespmem:s19], [sflag:$0x1] =	stream.indirect.gather [hbm4b:s5+s18], $0x80, s24, s18, $0xb8;
	[tilespmem:$0x1E000] =	vst v63  }
0x16d: {  	_ =	swait.ge [sflag:s25], $0x4000  }
0x16e: {  	[sflag:s25] =	ssyncset.done $0x0  }
0x16f: {  	s31 =	simm.s32 $0x380;
	[sflag:s25] =	ssyncadd.s32 $0xFFFFC000  }
0x170: {  	[tilespmem:s22], [sflag:$0x1] =	stream.indirect.gather [hbm4b:s5+s18], $0x80, s31, s18, $0xb8;
	[tilespmem:$0x1E000] =	vst v63  }
0x171: {  	_ =	swait.ge [sflag:s23], $0x4000  }
0x172: {  	[sflag:s23] =	ssyncset.done $0x0  }
0x173: {  	s14 =	simm.s32 $0x1300;
	[sflag:s23] =	ssyncadd.s32 $0xFFFFC000  }
0x174: {  	[spmem:s2] =	stream.indirect.scatter.add.f32 [tilespmem:s19], [sflag:$0x2], $0x80, s14, s18, $0xb8;
	[tilespmem:$0x1E000] =	vst v63  }
0x175: {  	_ =	swait.ge [sflag:s23], $0x4000  }
0x176: {  	[sflag:s23] =	ssyncset.done $0x0  }
0x177: {  	s24 =	simm.s32 $0x1380;
	[sflag:s23] =	ssyncadd.s32 $0xFFFFC000  }
0x178: {  	[spmem:s2] =	stream.indirect.scatter.add.f32 [tilespmem:s22], [sflag:$0x2], $0x80, s24, s18, $0xb8;
	[tilespmem:$0x1E000] =	vst v63  }
0x179: {  	_ =	swait.ge [sflag:s25], $0x4000  }
0x17a: {  	[sflag:s25] =	ssyncset.done $0x0  }
0x17b: {  	s31 =	simm.s32 $0x400;
	[sflag:s25] =	ssyncadd.s32 $0xFFFFC000  }
0x17c: {  	[tilespmem:s19], [sflag:$0x1] =	stream.indirect.gather [hbm4b:s5+s18], $0x80, s31, s18, $0xb8;
	[tilespmem:$0x1E000] =	vst v63  }
0x17d: {  	_ =	swait.ge [sflag:s25], $0x4000  }
0x17e: {  	[sflag:s25] =	ssyncset.done $0x0  }
0x17f: {  	s14 =	simm.s32 $0x480;
	[sflag:s25] =	ssyncadd.s32 $0xFFFFC000  }
0x180: {  	[tilespmem:s22], [sflag:$0x1] =	stream.indirect.gather [hbm4b:s5+s18], $0x80, s14, s18, $0xb8;
	[tilespmem:$0x1E000] =	vst v63  }
0x181: {  	_ =	swait.ge [sflag:s23], $0x4000  }
0x182: {  	[sflag:s23] =	ssyncset.done $0x0  }
0x183: {  	s24 =	simm.s32 $0x1400;
	[sflag:s23] =	ssyncadd.s32 $0xFFFFC000  }
0x184: {  	[spmem:s2] =	stream.indirect.scatter.add.f32 [tilespmem:s19], [sflag:$0x2], $0x80, s24, s18, $0xb8;
	[tilespmem:$0x1E000] =	vst v63  }
0x185: {  	_ =	swait.ge [sflag:s23], $0x4000  }
0x186: {  	[sflag:s23] =	ssyncset.done $0x0  }
0x187: {  	s31 =	simm.s32 $0x1480;
	[sflag:s23] =	ssyncadd.s32 $0xFFFFC000  }
0x188: {  	[spmem:s2] =	stream.indirect.scatter.add.f32 [tilespmem:s22], [sflag:$0x2], $0x80, s31, s18, $0xb8;
	[tilespmem:$0x1E000] =	vst v63  }
0x189: {  	_ =	swait.ge [sflag:s25], $0x4000  }
0x18a: {  	[sflag:s25] =	ssyncset.done $0x0  }
0x18b: {  	s14 =	simm.s32 $0x500;
	[sflag:s25] =	ssyncadd.s32 $0xFFFFC000  }
0x18c: {  	[tilespmem:s19], [sflag:$0x1] =	stream.indirect.gather [hbm4b:s5+s18], $0x80, s14, s18, $0xb8;
	[tilespmem:$0x1E000] =	vst v63  }
0x18d: {  	_ =	swait.ge [sflag:s25], $0x4000  }
0x18e: {  	[sflag:s25] =	ssyncset.done $0x0  }
0x18f: {  	s24 =	simm.s32 $0x580;
	[sflag:s25] =	ssyncadd.s32 $0xFFFFC000  }
0x190: {  	[tilespmem:s22], [sflag:$0x1] =	stream.indirect.gather [hbm4b:s5+s18], $0x80, s24, s18, $0xb8;
	[tilespmem:$0x1E000] =	vst v63  }
0x191: {  	_ =	swait.ge [sflag:s23], $0x4000  }
0x192: {  	[sflag:s23] =	ssyncset.done $0x0  }
0x193: {  	s31 =	simm.s32 $0x1500;
	[sflag:s23] =	ssyncadd.s32 $0xFFFFC000  }
0x194: {  	[spmem:s2] =	stream.indirect.scatter.add.f32 [tilespmem:s19], [sflag:$0x2], $0x80, s31, s18, $0xb8;
	[tilespmem:$0x1E000] =	vst v63  }
0x195: {  	_ =	swait.ge [sflag:s23], $0x4000  }
0x196: {  	[sflag:s23] =	ssyncset.done $0x0  }
0x197: {  	s14 =	simm.s32 $0x1580;
	[sflag:s23] =	ssyncadd.s32 $0xFFFFC000  }
0x198: {  	[spmem:s2] =	stream.indirect.scatter.add.f32 [tilespmem:s22], [sflag:$0x2], $0x80, s14, s18, $0xb8;
	[tilespmem:$0x1E000] =	vst v63  }
0x199: {  	_ =	swait.ge [sflag:s25], $0x4000  }
0x19a: {  	[sflag:s25] =	ssyncset.done $0x0  }
0x19b: {  	s24 =	simm.s32 $0x600;
	[sflag:s25] =	ssyncadd.s32 $0xFFFFC000  }
0x19c: {  	[tilespmem:s19], [sflag:$0x1] =	stream.indirect.gather [hbm4b:s5+s18], $0x80, s24, s18, $0xb8;
	[tilespmem:$0x1E000] =	vst v63  }
0x19d: {  	_ =	swait.ge [sflag:s25], $0x4000  }
0x19e: {  	[sflag:s25] =	ssyncset.done $0x0  }
0x19f: {  	s31 =	simm.s32 $0x680;
	[sflag:s25] =	ssyncadd.s32 $0xFFFFC000  }
0x1a0: {  	[tilespmem:s22], [sflag:$0x1] =	stream.indirect.gather [hbm4b:s5+s18], $0x80, s31, s18, $0xb8;
	[tilespmem:$0x1E000] =	vst v63  }
0x1a1: {  	_ =	swait.ge [sflag:s23], $0x4000  }
0x1a2: {  	[sflag:s23] =	ssyncset.done $0x0  }
0x1a3: {  	s14 =	simm.s32 $0x1600;
	[sflag:s23] =	ssyncadd.s32 $0xFFFFC000  }
0x1a4: {  	[spmem:s2] =	stream.indirect.scatter.add.f32 [tilespmem:s19], [sflag:$0x2], $0x80, s14, s18, $0xb8;
	[tilespmem:$0x1E000] =	vst v63  }
0x1a5: {  	_ =	swait.ge [sflag:s23], $0x4000  }
0x1a6: {  	[sflag:s23] =	ssyncset.done $0x0  }
0x1a7: {  	s24 =	simm.s32 $0x1680;
	[sflag:s23] =	ssyncadd.s32 $0xFFFFC000  }
0x1a8: {  	[spmem:s2] =	stream.indirect.scatter.add.f32 [tilespmem:s22], [sflag:$0x2], $0x80, s24, s18, $0xb8;
	[tilespmem:$0x1E000] =	vst v63  }
0x1a9: {  	_ =	swait.ge [sflag:s25], $0x4000  }
0x1aa: {  	[sflag:s25] =	ssyncset.done $0x0  }
0x1ab: {  	s31 =	simm.s32 $0x700;
	[sflag:s25] =	ssyncadd.s32 $0xFFFFC000  }
0x1ac: {  	[tilespmem:s19], [sflag:$0x1] =	stream.indirect.gather [hbm4b:s5+s18], $0x80, s31, s18, $0xb8;
	[tilespmem:$0x1E000] =	vst v63  }
0x1ad: {  	_ =	swait.ge [sflag:s25], $0x4000  }
0x1ae: {  	[sflag:s25] =	ssyncset.done $0x0  }
0x1af: {  	s14 =	simm.s32 $0x780;
	[sflag:s25] =	ssyncadd.s32 $0xFFFFC000  }
0x1b0: {  	[tilespmem:s22], [sflag:$0x1] =	stream.indirect.gather [hbm4b:s5+s18], $0x80, s14, s18, $0xb8;
	[tilespmem:$0x1E000] =	vst v63  }
0x1b1: {  	_ =	swait.ge [sflag:s23], $0x4000  }
0x1b2: {  	[sflag:s23] =	ssyncset.done $0x0  }
0x1b3: {  	s24 =	simm.s32 $0x1700;
	[sflag:s23] =	ssyncadd.s32 $0xFFFFC000  }
0x1b4: {  	[spmem:s2] =	stream.indirect.scatter.add.f32 [tilespmem:s19], [sflag:$0x2], $0x80, s24, s18, $0xb8;
	[tilespmem:$0x1E000] =	vst v63  }
0x1b5: {  	_ =	swait.ge [sflag:s23], $0x4000  }
0x1b6: {  	[sflag:s23] =	ssyncset.done $0x0  }
0x1b7: {  	s31 =	simm.s32 $0x1780;
	[sflag:s23] =	ssyncadd.s32 $0xFFFFC000  }
0x1b8: {  	[spmem:s2] =	stream.indirect.scatter.add.f32 [tilespmem:s22], [sflag:$0x2], $0x80, s31, s18, $0xb8;
	[tilespmem:$0x1E000] =	vst v63  }
0x1b9: {  	_ =	swait.ge [sflag:s25], $0x4000  }
0x1ba: {  	[sflag:s25] =	ssyncset.done $0x0  }
0x1bb: {  	[sflag:s25] =	ssyncadd.s32 $0xFFFFC000  }
0x1bc: {  	_ =	swait.ge [sflag:s25], $0x4000  }
0x1bd: {  	[sflag:s25] =	ssyncset.done $0x0  }
0x1be: {  	[sflag:s25] =	ssyncadd.s32 $0xFFFFC000  }
0x1bf: {  	[bflag:$0x0] =	sbarrier.arrive $0xFFFF  }
0x1c0: {  	s24 =	rddreg [dreg:$0x5]  }
0x1c1: {  	s0 =	rddreg [dreg:$0x8]  }
0x1c2: {  	s14 =	simm.s32 $0x4;
	s30 =	rddreg [dreg:$0xa]  }
0x1c3: {  	[hbm:s0], [sflag:s24] =	dma.local [spmem:s30], $0x2800  }
0x1c4: {  	_ =	swait.ge [sflag:s14], $0x2800  }
0x1c5: {  	s31 =	rddreg [dreg:$0xb]  }
0x1c6: {  	s0 =	sadd.s32 $0x1, s31;
	s31 =	rddreg [dreg:$0x9]  }
0x1c7: {  	p0 =	sne.s32 s0, s31  }
.Ltmp1:
0x1c8: {  	_ = 	snop;
	(pc) =	sbr.rel @p0 .LBB2_1-.Ltmp1, $3  }
0x1c9: {  	_ =	sdelay $0x1  }
0x1ca: {  	[sflag:s14] =	ssyncset.done $0x0;
	s31 =	simm.s32 $0x4  }
0x1cb: {  	[sflag:s31] =	ssyncadd.s32 $0xFFFFD800  }
0x1cc: {  	_ =	sfence.sel $0x180000  }
0x1cd: {  	[bflag:$0x0] =	sbarrier.arrive $0xFFFF  }
0x1ce: {  	_ =	strace $0x9000004A  }
0x1cf: {  	s0 =	stileid.u32;
	[bflag:$0x2] =	sbarrier.arrive $0xFFFF  }
0x1d0: {  	p0 =	sne.s32 s0, $0x0;
	s0 =	rddreg [dreg:$0x3]  }
0x1d1: {  	s0 =	sadd.s32 @!p0 $0x100000, s0  }
0x1d2: {  	[sflag:s0] =	ssyncadd.tile.s32 @!p0 $0x1;
	_ =	shalt  }
.Lfunc_end2:
_tile_overlayer_lowered:
.L_overlay_start_2:
0x1d3: {  	(tag) =	ssettag $0x2  }
0x1d4: {  	s0 =	rddreg [dreg:$0x0];
	s2 =	stileid.u32  }
0x1d5: {  	s1 =	rddreg [dreg:$0x1];
	p0 =	sne.s32 s2, $0x0  }
0x1d6: {  	s3 =	rddreg [dreg:$0x2];
	[bflag:$0x3] =	sbarrier.arrive $0xFFFF;
	s2 =	simm.s32 @!p0 $0x1C04  }
0x1d7: {  	[timem:s3], [sflag:s2] =	dma.local @!p0 [hbm:s0], s1  }
0x1d8: {  	s0 =	simm.s32 @!p0 $0x4  }
0x1d9: {  	_ =	swait.ge @!p0 [sflag:s0], s1  }
0x1da: {  	s1 =	ssub.s32 @!p0 $0x0, s1;
	[sflag:s0] =	ssyncset.done @!p0 $0x0  }
0x1db: {  	[sflag:s0] =	ssyncadd.s32 @!p0 s1  }
0x1dc: {  	[bflag:$0x3] =	sbarrier.arrive $0xFFFF  }
0x1dd: {  	_ =	shalt  }

</sc_bundles>
